<compile_context>
chip_gen: v7x
topology: tpu7x:2x2x1
jax: 0.10.2.dev20260603
libtpu: 0.0.44.dev20260713+nightly
codegen_flags: <defaults>
</compile_context>

<pallas_src>
import functools

import jax
import jax.numpy as jnp
from jax import lax
from jax.experimental import pallas as pl
from jax.experimental.pallas import tpu as pltpu
from jax.experimental.pallas import tpu_sc as plsc

_N = 10000
_E = 2048
_DF = 128
_DE = 16
_DG = 8

_NC = 2
_NS = 16
_NW = _NC * _NS
_B = 2 * _E
_BPW = _B // _NW
_BPT = _E // _NS
_CH = 624
_CT = _N - _CH * _NS

@functools.cache
def _sc_kernels():
    mesh = plsc.VectorSubcoreMesh(
        core_axis_name="c", subcore_axis_name="s", num_cores=_NC)

    @functools.partial(
        pl.kernel,
        out_type=jax.ShapeDtypeStruct((_B, _DF), jnp.float32),
        mesh=mesh,
        scratch_types=[
            pltpu.VMEM((_BPW,), jnp.int32),
            pltpu.VMEM((_BPW, _DF), jnp.float32),
            pltpu.SemaphoreType.DMA,
        ],
    )
    def sc_gather(table_hbm, idx_hbm, out_hbm, idx_v, rows_v, sem):
        wid = lax.axis_index("s") * _NC + lax.axis_index("c")
        base = wid * _BPW
        pltpu.sync_copy(idx_hbm.at[pl.ds(base, _BPW)], idx_v)
        pltpu.async_copy(table_hbm.at[idx_v], rows_v, sem).wait()
        pltpu.sync_copy(rows_v, out_hbm.at[pl.ds(base, _BPW)])

    @functools.partial(
        pl.kernel,
        out_type=(
            jax.ShapeDtypeStruct((_N, _DF), jnp.float32),
            jax.ShapeDtypeStruct((_N, _DF), jnp.float32),
        ),
        mesh=mesh,
        scratch_types=[
            pltpu.VMEM_SHARED((_N, _DF), jnp.float32),
            pltpu.VMEM((_BPT,), jnp.int32),
            pltpu.VMEM((_BPT, _DF), jnp.float32),
            pltpu.SemaphoreType.DMA,
            pltpu.SemaphoreType.DMA,
            pltpu.SemaphoreType.DMA,
        ],
    )
    def sc_scatter(basehalf_hbm, rows_hbm, idx_hbm, out0_hbm, out1_hbm,
                   acc_sh, idx_v, rows_v, sem_i, sem_r, sem_b):
        cid = lax.axis_index("c")
        sid = lax.axis_index("s")
        coff = sid * _CH
        roff = cid * _E + sid * _BPT
        c_i = pltpu.async_copy(idx_hbm.at[pl.ds(roff, _BPT)], idx_v, sem_i)
        c_r = pltpu.async_copy(rows_hbm.at[pl.ds(roff, _BPT)], rows_v, sem_r)
        c_b = pltpu.async_copy(basehalf_hbm.at[pl.ds(coff, _CH)],
                               acc_sh.at[pl.ds(coff, _CH)], sem_b)

        @pl.when(sid == _NS - 1)
        def _():
            pltpu.sync_copy(basehalf_hbm.at[pl.ds(_CH * _NS, _CT)],
                            acc_sh.at[pl.ds(_CH * _NS, _CT)])

        c_i.wait()
        c_r.wait()
        c_b.wait()
        plsc.subcore_barrier()
        pltpu.sync_copy(rows_v, acc_sh.at[idx_v], add=True)
        plsc.subcore_barrier()

        @pl.when(cid == 0)
        def _():
            pltpu.sync_copy(acc_sh.at[pl.ds(coff, _CH)],
                            out0_hbm.at[pl.ds(coff, _CH)])

            @pl.when(sid == _NS - 1)
            def _():
                pltpu.sync_copy(acc_sh.at[pl.ds(_CH * _NS, _CT)],
                                out0_hbm.at[pl.ds(_CH * _NS, _CT)])

        @pl.when(cid == 1)
        def _():
            pltpu.sync_copy(acc_sh.at[pl.ds(coff, _CH)],
                            out1_hbm.at[pl.ds(coff, _CH)])

            @pl.when(sid == _NS - 1)
            def _():
                pltpu.sync_copy(acc_sh.at[pl.ds(_CH * _NS, _CT)],
                                out1_hbm.at[pl.ds(_CH * _NS, _CT)])

    return sc_gather, sc_scatter


_EB = 512


def _bf(x):
    return x.astype(jnp.bfloat16)


_KB = _E // _EB
_NB = 2000
_NBK = _N // _NB
_IN_E = _DE + 2 * _DF + _DG


def _fused_body(ein_ref, g_ref,
                w1_ref, b1_ref,
                w2_ref, b2_ref, wns_ref, wnr_ref,
                nodes_ref, wnn_ref, wng_ref, bn1_ref,
                eout_ref, rows_ref, base_ref, h1_scr):
    j = pl.program_id(0)

    for jj in range(_KB):
        @pl.when(j == jj)
        def _():
            acc = jnp.dot(ein_ref[...], _bf(w1_ref[...]),
                          preferred_element_type=jnp.float32)
            h1_scr[:, jj * _EB:(jj + 1) * _EB] = _bf(
                jnp.maximum(acc + b1_ref[...], 0.0))

    @pl.when(jnp.logical_and(j >= _KB, j < 2 * _KB))
    def _():
        acc = jnp.dot(h1_scr[...], _bf(w2_ref[...]),
                      preferred_element_type=jnp.float32)
        eb = jnp.maximum(acc + b2_ref[...], 0.0)
        eout_ref[...] = eb
        ebb = _bf(eb)
        es_p = jnp.dot(ebb, _bf(wns_ref[...]), preferred_element_type=jnp.float32)
        er_p = jnp.dot(ebb, _bf(wnr_ref[...]), preferred_element_type=jnp.float32)

        @pl.when(j == _KB)
        def _():
            rows_ref[:_E] = es_p
            rows_ref[_E:] = er_p

        @pl.when(j > _KB)
        def _():
            rows_ref[:_E] += es_p
            rows_ref[_E:] += er_p

    @pl.when(j >= 2 * _KB)
    def _():
        acc = jnp.dot(_bf(nodes_ref[...]), _bf(wnn_ref[...]),
                      preferred_element_type=jnp.float32)
        acc += jnp.dot(g_ref[...], wng_ref[...],
                       preferred_element_type=jnp.float32)
        base_ref[...] = 0.5 * (acc + bn1_ref[...])


def _fused_tc(ein, globals_, w1, b1,
              w2, b2, wns, wnr, nodes, wnn, wng, bn1):
    def _jb(j):
        return jnp.clip(j - _KB, 0, _KB - 1)

    def _jn(j):
        return jnp.clip(j - 2 * _KB, 0, _NBK - 1)

    grid = (2 * _KB + _NBK,)
    return pl.pallas_call(
        _fused_body,
        grid=grid,
        in_specs=[
            pl.BlockSpec((_E, _IN_E), lambda j: (0, 0)),
            pl.BlockSpec((1, _DG), lambda j: (0, 0)),
            pl.BlockSpec((_IN_E, _EB), lambda j: (0, jnp.minimum(j, _KB - 1))),
            pl.BlockSpec((1, _EB), lambda j: (0, jnp.minimum(j, _KB - 1))),
            pl.BlockSpec((_E, _EB), lambda j: (0, _jb(j))),
            pl.BlockSpec((1, _EB), lambda j: (0, _jb(j))),
            pl.BlockSpec((_EB, _DF), lambda j: (_jb(j), 0)),
            pl.BlockSpec((_EB, _DF), lambda j: (_jb(j), 0)),
            pl.BlockSpec((_NB, _DF), lambda j: (_jn(j), 0)),
            pl.BlockSpec((_DF, _DF), lambda j: (0, 0)),
            pl.BlockSpec((_DG, _DF), lambda j: (0, 0)),
            pl.BlockSpec((1, _DF), lambda j: (0, 0)),
        ],
        out_specs=[
            pl.BlockSpec((_E, _EB), lambda j: (0, _jb(j))),
            pl.BlockSpec((2 * _E, _DF), lambda j: (0, 0)),
            pl.BlockSpec((_NB, _DF), lambda j: (_jn(j), 0)),
        ],
        out_shape=[
            jax.ShapeDtypeStruct((_E, _E), jnp.float32),
            jax.ShapeDtypeStruct((2 * _E, _DF), jnp.float32),
            jax.ShapeDtypeStruct((_N, _DF), jnp.float32),
        ],
        scratch_shapes=[pltpu.VMEM((_E, _E), jnp.bfloat16)],
    )(ein, globals_, w1, b1,
      w2, b2, wns, wnr, nodes, wnn, wng, bn1)


_TB = 2000


def _node_body(p0_ref, p1_ref, w2_ref, b2_ref, out_ref):
    h = jnp.maximum(p0_ref[...] + p1_ref[...], 0.0)
    acc = jnp.dot(_bf(h), _bf(w2_ref[...]), preferred_element_type=jnp.float32)
    out_ref[...] = jnp.maximum(acc + b2_ref[...], 0.0)


def _node_tail(p0, p1, wn2, bn2):
    grid = (_N // _TB,)
    return pl.pallas_call(
        _node_body,
        grid=grid,
        in_specs=[
            pl.BlockSpec((_TB, _DF), lambda i: (i, 0)),
            pl.BlockSpec((_TB, _DF), lambda i: (i, 0)),
            pl.BlockSpec((_DF, _DF), lambda i: (0, 0)),
            pl.BlockSpec((1, _DF), lambda i: (0, 0)),
        ],
        out_specs=pl.BlockSpec((_TB, _DF), lambda i: (i, 0)),
        out_shape=jax.ShapeDtypeStruct((_N, _DF), jnp.float32),
    )(p0, p1, wn2, bn2)


def kernel(nodes, edges, receivers, senders, globals_, n_node, n_edge,
           W_e1, b_e1, W_e2, b_e2, W_n1, b_n1, W_n2, b_n2):
    sc_gather, sc_scatter = _sc_kernels()
    idx = jnp.concatenate([senders, receivers])
    gathered = sc_gather(nodes, idx)

    ein = jnp.concatenate(
        [edges, gathered[:_E], gathered[_E:],
         jnp.broadcast_to(globals_[0], (_E, _DG))],
        axis=1).astype(jnp.bfloat16)
    wns = W_n1[_DF:_DF + _E]
    wnr = W_n1[_DF + _E:_DF + 2 * _E]
    edges_new, rows, basehalf = _fused_tc(
        ein, globals_, W_e1, b_e1.reshape(1, -1),
        W_e2, b_e2.reshape(1, -1), wns, wnr,
        nodes, W_n1[:_DF], W_n1[_DF + 2 * _E:], b_n1.reshape(1, -1))
    p0, p1 = sc_scatter(basehalf, rows, idx)
    nodes_new = _node_tail(p0, p1, W_n2, b_n2.reshape(1, -1))

    return (nodes_new, edges_new, receivers, senders, globals_, n_node, n_edge)

# --- scband reference (transcript-rebuilt; emitter-appended) ---
"""Pipeline reference for scband-graph-net-30915174596644 (READ-ONLY COPY).

The authoritative reference and input builder live on the scoring server;
editing this copy changes nothing except your own understanding.
"""

import jax, jax.numpy as jnp
import numpy as np

N = 10000
E = 2048
D_FEAT = 128
D_EDGE = 16
D_GLOBAL = 8


def setup_inputs(seed: int = 0) -> dict:
    key = jax.random.key(seed)
    ks = jax.random.split(key, 20)
    nodes = jax.random.normal(ks[0], (N, D_FEAT), dtype=jnp.float32)
    edges = jax.random.normal(ks[1], (E, D_EDGE), dtype=jnp.float32)
    senders = jax.random.randint(ks[2], (E,), 0, N, dtype=jnp.int32)
    receivers = jax.random.randint(ks[3], (E,), 0, N, dtype=jnp.int32)
    globals_ = jax.random.normal(ks[4], (1, D_GLOBAL), dtype=jnp.float32)
    n_node = jnp.array([N], dtype=jnp.int32)
    n_edge = jnp.array([E], dtype=jnp.int32)
    in_e = D_EDGE + 2 * D_FEAT + D_GLOBAL
    in_n = D_FEAT + 2 * E + D_GLOBAL
    def dense(k, fi, fo):
        return jax.random.normal(k, (fi, fo), dtype=jnp.float32) / np.sqrt(fi)
    # edge MLP: feature_sizes = [len(edges)] * hidden_layers = [E, E]
    W_e1 = dense(ks[5], in_e, E)
    b_e1 = jnp.zeros((E,), jnp.float32)
    W_e2 = dense(ks[6], E, E)
    b_e2 = jnp.zeros((E,), jnp.float32)
    # node MLP: feature_sizes = [d_feat] * hidden_layers = [D_FEAT, D_FEAT]
    W_n1 = dense(ks[7], in_n, D_FEAT)
    b_n1 = jnp.zeros((D_FEAT,), jnp.float32)
    W_n2 = dense(ks[8], D_FEAT, D_FEAT)
    b_n2 = jnp.zeros((D_FEAT,), jnp.float32)
    return {"nodes": nodes, "edges": edges, "receivers": receivers, "senders": senders,
            "globals_": globals_, "n_node": n_node, "n_edge": n_edge,
            "W_e1": W_e1, "b_e1": b_e1, "W_e2": W_e2, "b_e2": b_e2,
            "W_n1": W_n1, "b_n1": b_n1, "W_n2": W_n2, "b_n2": b_n2}


def _mlp(x, Ws, bs):
    for W, b in zip(Ws, bs):
        x = jax.nn.relu(x @ W + b)
    return x


def reference(nodes, edges, receivers, senders, globals_, n_node, n_edge,
              W_e1, b_e1, W_e2, b_e2, W_n1, b_n1, W_n2, b_n2):
    # jraph.GraphNetwork with concatenated_args MLPs (embedder/decoder are
    # constructed but never applied in the original compact __call__).
    # --- edge update: update_edge_fn(edges, nodes[senders], nodes[receivers], globals) ---
    sent = jnp.take(nodes, senders, axis=0)
    recv = jnp.take(nodes, receivers, axis=0)
    g_e = jnp.broadcast_to(globals_[0], (E, D_GLOBAL))
    e_in = jnp.concatenate([edges, sent, recv, g_e], axis=-1)
    edges_new = _mlp(e_in, [W_e1, W_e2], [b_e1, b_e2])
    # --- node update: update_node_fn(nodes, sum_out_edges, sum_in_edges, globals) ---
    sent_agg = jax.ops.segment_sum(edges_new, senders, num_segments=N)
    recv_agg = jax.ops.segment_sum(edges_new, receivers, num_segments=N)
    g_n = jnp.broadcast_to(globals_[0], (N, D_GLOBAL))
    n_in = jnp.concatenate([nodes, sent_agg, recv_agg, g_n], axis=-1)
    nodes_new = _mlp(n_in, [W_n1, W_n2], [b_n1, b_n2])
    # update_global_fn=None -> globals unchanged; decoder never applied
    return (nodes_new, edges_new, receivers, senders, globals_, n_node, n_edge)

if __name__ == "__main__":
    import jax
    _d = setup_inputs()
    print(jax.jit(kernel)(*tuple(_d.values())))

</pallas_src>

<mosaic_0001>
#map = affine_map<(d0, d1) -> (0, 0)>
#map1 = affine_map<(d0, d1) -> (0)>
module attributes {stable_mosaic.version = 14 : i64} {
  func.func @sc_gather(%arg0: i32, %arg1: i32, %arg2: memref<10000x128xf32, #tpu.memory_space<hbm>>, %arg3: memref<4096xi32, #tpu.memory_space<hbm>>, %arg4: memref<4096x128xf32, #tpu.memory_space<hbm>>, %arg5: memref<128xi32, #tpu.memory_space<vmem>>, %arg6: memref<128x128xf32, #tpu.memory_space<vmem>>, %arg7: memref<!tpu.dma_semaphore, #tpu.memory_space<semaphore_mem>>) attributes {dimension_semantics = [#tpu.dimension_semantics<core_parallel>, #tpu.dimension_semantics<subcore_parallel>], iteration_bounds = array<i64: 2, 16>, scalar_prefetch = 0 : i64, scratch_operands = 3 : i64, tpu.core_type = #tpu.core_type<sc_vector_subcore>, window_params = [{transform_indices = #map}, {transform_indices = #map1}, {transform_indices = #map}]} {
    %mul3A = arith.constant 2 : i32
    %mul3A_0 = arith.muli %arg1, %mul3A : i32
    %add3A = arith.addi %mul3A_0, %arg0 : i32
    %mul3A_1 = arith.constant 128 : i32
    %mul3A_2 = arith.muli %add3A, %mul3A_1 : i32
    "tpu.region"() ({
      %run_scoped3A = tpu.sem_alloc : memref<!tpu.dma_semaphore, #tpu.memory_space<semaphore_mem>>
      %dma_start3A_7 = tpu.memref_slice %arg3[%mul3A_2] : memref<4096xi32, #tpu.memory_space<hbm>> -> memref<128xi32, #tpu.memory_space<hbm>>
      %dma_start3A_8 = tpu.memref_slice %arg3[%mul3A_2] : memref<4096xi32, #tpu.memory_space<hbm>> -> memref<128xi32, #tpu.memory_space<hbm>>
      tpu.enqueue_dma source(%dma_start3A_8 : memref<128xi32, #tpu.memory_space<hbm>>) target(%arg5 : memref<128xi32, #tpu.memory_space<vmem>>) target_semaphore(%run_scoped3A : memref<!tpu.dma_semaphore, #tpu.memory_space<semaphore_mem>>)
      %dma_wait3A_9 = tpu.memref_slice %arg3[%mul3A_2] : memref<4096xi32, #tpu.memory_space<hbm>> -> memref<128xi32, #tpu.memory_space<hbm>>
      %dma_wait3A_10 = tpu.memref_slice %arg3[%mul3A_2] : memref<4096xi32, #tpu.memory_space<hbm>> -> memref<128xi32, #tpu.memory_space<hbm>>
      tpu.wait_dma2 semaphore(%run_scoped3A : memref<!tpu.dma_semaphore, #tpu.memory_space<semaphore_mem>>) src(%dma_wait3A_10 : memref<128xi32, #tpu.memory_space<hbm>>) dst(%arg5 : memref<128xi32, #tpu.memory_space<vmem>>)
      tpu.yield
    }) : () -> ()
    %dma_start3A = arith.constant 0 : i32
    %dma_start3A_3 = arith.constant 0 : i32
    %dma_start3A_4 = tpu.memref_slice %arg2[%dma_start3A, %dma_start3A_3] : memref<10000x128xf32, #tpu.memory_space<hbm>> -> memref<10000x128xf32, #tpu.memory_space<hbm>>
    tpu.enqueue_indirect_dma source(%dma_start3A_4 : memref<10000x128xf32, #tpu.memory_space<hbm>>) target(%arg6 : memref<128x128xf32, #tpu.memory_space<vmem>>) offsets(%arg5 : memref<128xi32, #tpu.memory_space<vmem>>) semaphore(%arg7 : memref<!tpu.dma_semaphore, #tpu.memory_space<semaphore_mem>>)
    %dma_wait3A = arith.constant 0 : i32
    %dma_wait3A_5 = arith.constant 0 : i32
    %dma_wait3A_6 = tpu.memref_slice %arg2[%dma_wait3A, %dma_wait3A_5] : memref<10000x128xf32, #tpu.memory_space<hbm>> -> memref<10000x128xf32, #tpu.memory_space<hbm>>
    tpu.wait_indirect_dma semaphore(%arg7 : memref<!tpu.dma_semaphore, #tpu.memory_space<semaphore_mem>>) src(%dma_wait3A_6 : memref<10000x128xf32, #tpu.memory_space<hbm>>) dst(%arg6 : memref<128x128xf32, #tpu.memory_space<vmem>>)
    "tpu.region"() ({
      %run_scoped3A = tpu.sem_alloc : memref<!tpu.dma_semaphore, #tpu.memory_space<semaphore_mem>>
      %dma_start3A_7 = arith.constant 0 : i32
      %dma_start3A_8 = tpu.memref_slice %arg4[%mul3A_2, %dma_start3A_7] : memref<4096x128xf32, #tpu.memory_space<hbm>> -> memref<128x128xf32, #tpu.memory_space<hbm>>
      %dma_start3A_9 = arith.constant 0 : i32
      %dma_start3A_10 = tpu.memref_slice %arg4[%mul3A_2, %dma_start3A_9] : memref<4096x128xf32, #tpu.memory_space<hbm>> -> memref<128x128xf32, #tpu.memory_space<hbm>>
      tpu.enqueue_dma source(%arg6 : memref<128x128xf32, #tpu.memory_space<vmem>>) target(%dma_start3A_10 : memref<128x128xf32, #tpu.memory_space<hbm>>) target_semaphore(%run_scoped3A : memref<!tpu.dma_semaphore, #tpu.memory_space<semaphore_mem>>)
      %dma_wait3A_11 = arith.constant 0 : i32
      %dma_wait3A_12 = tpu.memref_slice %arg4[%mul3A_2, %dma_wait3A_11] : memref<4096x128xf32, #tpu.memory_space<hbm>> -> memref<128x128xf32, #tpu.memory_space<hbm>>
      %dma_wait3A_13 = arith.constant 0 : i32
      %dma_wait3A_14 = tpu.memref_slice %arg4[%mul3A_2, %dma_wait3A_13] : memref<4096x128xf32, #tpu.memory_space<hbm>> -> memref<128x128xf32, #tpu.memory_space<hbm>>
      tpu.wait_dma2 semaphore(%run_scoped3A : memref<!tpu.dma_semaphore, #tpu.memory_space<semaphore_mem>>) src(%arg6 : memref<128x128xf32, #tpu.memory_space<vmem>>) dst(%dma_wait3A_14 : memref<128x128xf32, #tpu.memory_space<hbm>>)
      tpu.yield
    }) : () -> ()
    return
  }
}

#map = affine_map<(d0, d1) -> (0, 0)>
#map1 = affine_map<(d0, d1) -> (0)>
module attributes {stable_mosaic.version = 14 : i64} {
  func.func @sc_scatter(%arg0: i32, %arg1: i32, %arg2: memref<10000x128xf32, #tpu.memory_space<hbm>>, %arg3: memref<4096x128xf32, #tpu.memory_space<hbm>>, %arg4: memref<4096xi32, #tpu.memory_space<hbm>>, %arg5: memref<10000x128xf32, #tpu.memory_space<hbm>>, %arg6: memref<10000x128xf32, #tpu.memory_space<hbm>>, %arg7: memref<10000x128xf32, #tpu.memory_space<vmem_shared>>, %arg8: memref<128xi32, #tpu.memory_space<vmem>>, %arg9: memref<128x128xf32, #tpu.memory_space<vmem>>, %arg10: memref<!tpu.dma_semaphore, #tpu.memory_space<semaphore_mem>>, %arg11: memref<!tpu.dma_semaphore, #tpu.memory_space<semaphore_mem>>, %arg12: memref<!tpu.dma_semaphore, #tpu.memory_space<semaphore_mem>>) attributes {dimension_semantics = [#tpu.dimension_semantics<core_parallel>, #tpu.dimension_semantics<subcore_parallel>], iteration_bounds = array<i64: 2, 16>, scalar_prefetch = 0 : i64, scratch_operands = 6 : i64, tpu.core_type = #tpu.core_type<sc_vector_subcore>, window_params = [{transform_indices = #map}, {transform_indices = #map}, {transform_indices = #map1}, {transform_indices = #map}, {transform_indices = #map}]} {
    %mul3A = arith.constant 624 : i32
    %mul3A_0 = arith.muli %arg1, %mul3A : i32
    %mul3A_1 = arith.constant 2048 : i32
    %mul3A_2 = arith.muli %arg0, %mul3A_1 : i32
    %mul3A_3 = arith.constant 128 : i32
    %mul3A_4 = arith.muli %arg1, %mul3A_3 : i32
    %add3A = arith.addi %mul3A_2, %mul3A_4 : i32
    %dma_start3A = tpu.memref_slice %arg4[%add3A] : memref<4096xi32, #tpu.memory_space<hbm>> -> memref<128xi32, #tpu.memory_space<hbm>>
    %dma_start3A_5 = tpu.memref_slice %arg4[%add3A] : memref<4096xi32, #tpu.memory_space<hbm>> -> memref<128xi32, #tpu.memory_space<hbm>>
    tpu.enqueue_dma source(%dma_start3A_5 : memref<128xi32, #tpu.memory_space<hbm>>) target(%arg8 : memref<128xi32, #tpu.memory_space<vmem>>) target_semaphore(%arg10 : memref<!tpu.dma_semaphore, #tpu.memory_space<semaphore_mem>>)
    %dma_start3A_6 = arith.constant 0 : i32
    %dma_start3A_7 = tpu.memref_slice %arg3[%add3A, %dma_start3A_6] : memref<4096x128xf32, #tpu.memory_space<hbm>> -> memref<128x128xf32, #tpu.memory_space<hbm>>
    %dma_start3A_8 = arith.constant 0 : i32
    %dma_start3A_9 = tpu.memref_slice %arg3[%add3A, %dma_start3A_8] : memref<4096x128xf32, #tpu.memory_space<hbm>> -> memref<128x128xf32, #tpu.memory_space<hbm>>
    tpu.enqueue_dma source(%dma_start3A_9 : memref<128x128xf32, #tpu.memory_space<hbm>>) target(%arg9 : memref<128x128xf32, #tpu.memory_space<vmem>>) target_semaphore(%arg11 : memref<!tpu.dma_semaphore, #tpu.memory_space<semaphore_mem>>)
    %dma_start3A_10 = arith.constant 0 : i32
    %dma_start3A_11 = tpu.memref_slice %arg7[%mul3A_0, %dma_start3A_10] : memref<10000x128xf32, #tpu.memory_space<vmem_shared>> -> memref<624x128xf32, #tpu.memory_space<vmem_shared>>
    %dma_start3A_12 = arith.constant 0 : i32
    %dma_start3A_13 = tpu.memref_slice %arg2[%mul3A_0, %dma_start3A_12] : memref<10000x128xf32, #tpu.memory_space<hbm>> -> memref<624x128xf32, #tpu.memory_space<hbm>>
    tpu.enqueue_dma source(%dma_start3A_13 : memref<624x128xf32, #tpu.memory_space<hbm>>) target(%dma_start3A_11 : memref<624x128xf32, #tpu.memory_space<vmem_shared>>) target_semaphore(%arg12 : memref<!tpu.dma_semaphore, #tpu.memory_space<semaphore_mem>>)
    %eq3A = arith.constant 15 : i32
    %eq3A_14 = arith.cmpi eq, %arg1, %eq3A : i32
    %convert_element_type3A = arith.extui %eq3A_14 : i1 to i32
    %cond3A = arith.constant 0 : i32
    %cond3A_15 = arith.cmpi ne, %convert_element_type3A, %cond3A : i32
    scf.if %cond3A_15 {
      "tpu.region"() ({
        %run_scoped3A = tpu.sem_alloc : memref<!tpu.dma_semaphore, #tpu.memory_space<semaphore_mem>>
        %dma_start3A_36 = arith.constant 9984 : i32
        %dma_start3A_37 = arith.constant 0 : i32
        %dma_start3A_38 = tpu.memref_slice %arg7[%dma_start3A_36, %dma_start3A_37] : memref<10000x128xf32, #tpu.memory_space<vmem_shared>> -> memref<16x128xf32, #tpu.memory_space<vmem_shared>>
        %dma_start3A_39 = arith.constant 9984 : i32
        %dma_start3A_40 = arith.constant 0 : i32
        %dma_start3A_41 = tpu.memref_slice %arg2[%dma_start3A_39, %dma_start3A_40] : memref<10000x128xf32, #tpu.memory_space<hbm>> -> memref<16x128xf32, #tpu.memory_space<hbm>>
        tpu.enqueue_dma source(%dma_start3A_41 : memref<16x128xf32, #tpu.memory_space<hbm>>) target(%dma_start3A_38 : memref<16x128xf32, #tpu.memory_space<vmem_shared>>) target_semaphore(%run_scoped3A : memref<!tpu.dma_semaphore, #tpu.memory_space<semaphore_mem>>)
        %dma_wait3A_42 = arith.constant 9984 : i32
        %dma_wait3A_43 = arith.constant 0 : i32
        %dma_wait3A_44 = tpu.memref_slice %arg7[%dma_wait3A_42, %dma_wait3A_43] : memref<10000x128xf32, #tpu.memory_space<vmem_shared>> -> memref<16x128xf32, #tpu.memory_space<vmem_shared>>
        %dma_wait3A_45 = arith.constant 9984 : i32
        %dma_wait3A_46 = arith.constant 0 : i32
        %dma_wait3A_47 = tpu.memref_slice %arg2[%dma_wait3A_45, %dma_wait3A_46] : memref<10000x128xf32, #tpu.memory_space<hbm>> -> memref<16x128xf32, #tpu.memory_space<hbm>>
        tpu.wait_dma2 semaphore(%run_scoped3A : memref<!tpu.dma_semaphore, #tpu.memory_space<semaphore_mem>>) src(%dma_wait3A_47 : memref<16x128xf32, #tpu.memory_space<hbm>>) dst(%dma_wait3A_44 : memref<16x128xf32, #tpu.memory_space<vmem_shared>>)
        tpu.yield
      }) : () -> ()
    } else {
    }
    %dma_wait3A = tpu.memref_slice %arg4[%add3A] : memref<4096xi32, #tpu.memory_space<hbm>> -> memref<128xi32, #tpu.memory_space<hbm>>
    %dma_wait3A_16 = tpu.memref_slice %arg4[%add3A] : memref<4096xi32, #tpu.memory_space<hbm>> -> memref<128xi32, #tpu.memory_space<hbm>>
    tpu.wait_dma2 semaphore(%arg10 : memref<!tpu.dma_semaphore, #tpu.memory_space<semaphore_mem>>) src(%dma_wait3A_16 : memref<128xi32, #tpu.memory_space<hbm>>) dst(%arg8 : memref<128xi32, #tpu.memory_space<vmem>>)
    %dma_wait3A_17 = arith.constant 0 : i32
    %dma_wait3A_18 = tpu.memref_slice %arg3[%add3A, %dma_wait3A_17] : memref<4096x128xf32, #tpu.memory_space<hbm>> -> memref<128x128xf32, #tpu.memory_space<hbm>>
    %dma_wait3A_19 = arith.constant 0 : i32
    %dma_wait3A_20 = tpu.memref_slice %arg3[%add3A, %dma_wait3A_19] : memref<4096x128xf32, #tpu.memory_space<hbm>> -> memref<128x128xf32, #tpu.memory_space<hbm>>
    tpu.wait_dma2 semaphore(%arg11 : memref<!tpu.dma_semaphore, #tpu.memory_space<semaphore_mem>>) src(%dma_wait3A_20 : memref<128x128xf32, #tpu.memory_space<hbm>>) dst(%arg9 : memref<128x128xf32, #tpu.memory_space<vmem>>)
    %dma_wait3A_21 = arith.constant 0 : i32
    %dma_wait3A_22 = tpu.memref_slice %arg7[%mul3A_0, %dma_wait3A_21] : memref<10000x128xf32, #tpu.memory_space<vmem_shared>> -> memref<624x128xf32, #tpu.memory_space<vmem_shared>>
    %dma_wait3A_23 = arith.constant 0 : i32
    %dma_wait3A_24 = tpu.memref_slice %arg2[%mul3A_0, %dma_wait3A_23] : memref<10000x128xf32, #tpu.memory_space<hbm>> -> memref<624x128xf32, #tpu.memory_space<hbm>>
    tpu.wait_dma2 semaphore(%arg12 : memref<!tpu.dma_semaphore, #tpu.memory_space<semaphore_mem>>) src(%dma_wait3A_24 : memref<624x128xf32, #tpu.memory_space<hbm>>) dst(%dma_wait3A_22 : memref<624x128xf32, #tpu.memory_space<vmem_shared>>)
    %barrier3A = arith.constant 0 : index
    tpu.barrier barrier_id(%barrier3A)
    "tpu.region"() ({
      %run_scoped3A = tpu.sem_alloc : memref<!tpu.dma_semaphore, #tpu.memory_space<semaphore_mem>>
      %dma_start3A_36 = arith.constant 0 : i32
      %dma_start3A_37 = arith.constant 0 : i32
      %dma_start3A_38 = tpu.memref_slice %arg7[%dma_start3A_36, %dma_start3A_37] : memref<10000x128xf32, #tpu.memory_space<vmem_shared>> -> memref<10000x128xf32, #tpu.memory_space<vmem_shared>>
      tpu.enqueue_indirect_dma source(%arg9 : memref<128x128xf32, #tpu.memory_space<vmem>>) target(%dma_start3A_38 : memref<10000x128xf32, #tpu.memory_space<vmem_shared>>) offsets(%arg8 : memref<128xi32, #tpu.memory_space<vmem>>) semaphore(%run_scoped3A : memref<!tpu.dma_semaphore, #tpu.memory_space<semaphore_mem>>) {add = true}
      %dma_wait3A_39 = arith.constant 0 : i32
      %dma_wait3A_40 = arith.constant 0 : i32
      %dma_wait3A_41 = tpu.memref_slice %arg7[%dma_wait3A_39, %dma_wait3A_40] : memref<10000x128xf32, #tpu.memory_space<vmem_shared>> -> memref<10000x128xf32, #tpu.memory_space<vmem_shared>>
      tpu.wait_indirect_dma semaphore(%run_scoped3A : memref<!tpu.dma_semaphore, #tpu.memory_space<semaphore_mem>>) src(%arg9 : memref<128x128xf32, #tpu.memory_space<vmem>>) dst(%dma_wait3A_41 : memref<10000x128xf32, #tpu.memory_space<vmem_shared>>)
      tpu.yield
    }) : () -> ()
    %barrier3A_25 = arith.constant 0 : index
    tpu.barrier barrier_id(%barrier3A_25)
    %eq3A_26 = arith.constant 0 : i32
    %eq3A_27 = arith.cmpi eq, %arg0, %eq3A_26 : i32
    %convert_element_type3A_28 = arith.extui %eq3A_27 : i1 to i32
    %cond3A_29 = arith.constant 0 : i32
    %cond3A_30 = arith.cmpi ne, %convert_element_type3A_28, %cond3A_29 : i32
    scf.if %cond3A_30 {
      "tpu.region"() ({
        %run_scoped3A = tpu.sem_alloc : memref<!tpu.dma_semaphore, #tpu.memory_space<semaphore_mem>>
        %dma_start3A_41 = arith.constant 0 : i32
        %dma_start3A_42 = tpu.memref_slice %arg5[%mul3A_0, %dma_start3A_41] : memref<10000x128xf32, #tpu.memory_space<hbm>> -> memref<624x128xf32, #tpu.memory_space<hbm>>
        %dma_start3A_43 = arith.constant 0 : i32
        %dma_start3A_44 = tpu.memref_slice %arg7[%mul3A_0, %dma_start3A_43] : memref<10000x128xf32, #tpu.memory_space<vmem_shared>> -> memref<624x128xf32, #tpu.memory_space<vmem_shared>>
        tpu.enqueue_dma source(%dma_start3A_44 : memref<624x128xf32, #tpu.memory_space<vmem_shared>>) target(%dma_start3A_42 : memref<624x128xf32, #tpu.memory_space<hbm>>) target_semaphore(%run_scoped3A : memref<!tpu.dma_semaphore, #tpu.memory_space<semaphore_mem>>)
        %dma_wait3A_45 = arith.constant 0 : i32
        %dma_wait3A_46 = tpu.memref_slice %arg5[%mul3A_0, %dma_wait3A_45] : memref<10000x128xf32, #tpu.memory_space<hbm>> -> memref<624x128xf32, #tpu.memory_space<hbm>>
        %dma_wait3A_47 = arith.constant 0 : i32
        %dma_wait3A_48 = tpu.memref_slice %arg7[%mul3A_0, %dma_wait3A_47] : memref<10000x128xf32, #tpu.memory_space<vmem_shared>> -> memref<624x128xf32, #tpu.memory_space<vmem_shared>>
        tpu.wait_dma2 semaphore(%run_scoped3A : memref<!tpu.dma_semaphore, #tpu.memory_space<semaphore_mem>>) src(%dma_wait3A_48 : memref<624x128xf32, #tpu.memory_space<vmem_shared>>) dst(%dma_wait3A_46 : memref<624x128xf32, #tpu.memory_space<hbm>>)
        tpu.yield
      }) : () -> ()
      %eq3A_36 = arith.constant 15 : i32
      %eq3A_37 = arith.cmpi eq, %arg1, %eq3A_36 : i32
      %convert_element_type3A_38 = arith.extui %eq3A_37 : i1 to i32
      %cond3A_39 = arith.constant 0 : i32
      %cond3A_40 = arith.cmpi ne, %convert_element_type3A_38, %cond3A_39 : i32
      scf.if %cond3A_40 {
        "tpu.region"() ({
          %run_scoped3A = tpu.sem_alloc : memref<!tpu.dma_semaphore, #tpu.memory_space<semaphore_mem>>
          %dma_start3A_41 = arith.constant 9984 : i32
          %dma_start3A_42 = arith.constant 0 : i32
          %dma_start3A_43 = tpu.memref_slice %arg5[%dma_start3A_41, %dma_start3A_42] : memref<10000x128xf32, #tpu.memory_space<hbm>> -> memref<16x128xf32, #tpu.memory_space<hbm>>
          %dma_start3A_44 = arith.constant 9984 : i32
          %dma_start3A_45 = arith.constant 0 : i32
          %dma_start3A_46 = tpu.memref_slice %arg7[%dma_start3A_44, %dma_start3A_45] : memref<10000x128xf32, #tpu.memory_space<vmem_shared>> -> memref<16x128xf32, #tpu.memory_space<vmem_shared>>
          tpu.enqueue_dma source(%dma_start3A_46 : memref<16x128xf32, #tpu.memory_space<vmem_shared>>) target(%dma_start3A_43 : memref<16x128xf32, #tpu.memory_space<hbm>>) target_semaphore(%run_scoped3A : memref<!tpu.dma_semaphore, #tpu.memory_space<semaphore_mem>>)
          %dma_wait3A_47 = arith.constant 9984 : i32
          %dma_wait3A_48 = arith.constant 0 : i32
          %dma_wait3A_49 = tpu.memref_slice %arg5[%dma_wait3A_47, %dma_wait3A_48] : memref<10000x128xf32, #tpu.memory_space<hbm>> -> memref<16x128xf32, #tpu.memory_space<hbm>>
          %dma_wait3A_50 = arith.constant 9984 : i32
          %dma_wait3A_51 = arith.constant 0 : i32
          %dma_wait3A_52 = tpu.memref_slice %arg7[%dma_wait3A_50, %dma_wait3A_51] : memref<10000x128xf32, #tpu.memory_space<vmem_shared>> -> memref<16x128xf32, #tpu.memory_space<vmem_shared>>
          tpu.wait_dma2 semaphore(%run_scoped3A : memref<!tpu.dma_semaphore, #tpu.memory_space<semaphore_mem>>) src(%dma_wait3A_52 : memref<16x128xf32, #tpu.memory_space<vmem_shared>>) dst(%dma_wait3A_49 : memref<16x128xf32, #tpu.memory_space<hbm>>)
          tpu.yield
        }) : () -> ()
      } else {
      }
    } else {
    }
    %eq3A_31 = arith.constant 1 : i32
    %eq3A_32 = arith.cmpi eq, %arg0, %eq3A_31 : i32
    %convert_element_type3A_33 = arith.extui %eq3A_32 : i1 to i32
    %cond3A_34 = arith.constant 0 : i32
    %cond3A_35 = arith.cmpi ne, %convert_element_type3A_33, %cond3A_34 : i32
    scf.if %cond3A_35 {
      "tpu.region"() ({
        %run_scoped3A = tpu.sem_alloc : memref<!tpu.dma_semaphore, #tpu.memory_space<semaphore_mem>>
        %dma_start3A_41 = arith.constant 0 : i32
        %dma_start3A_42 = tpu.memref_slice %arg6[%mul3A_0, %dma_start3A_41] : memref<10000x128xf32, #tpu.memory_space<hbm>> -> memref<624x128xf32, #tpu.memory_space<hbm>>
        %dma_start3A_43 = arith.constant 0 : i32
        %dma_start3A_44 = tpu.memref_slice %arg7[%mul3A_0, %dma_start3A_43] : memref<10000x128xf32, #tpu.memory_space<vmem_shared>> -> memref<624x128xf32, #tpu.memory_space<vmem_shared>>
        tpu.enqueue_dma source(%dma_start3A_44 : memref<624x128xf32, #tpu.memory_space<vmem_shared>>) target(%dma_start3A_42 : memref<624x128xf32, #tpu.memory_space<hbm>>) target_semaphore(%run_scoped3A : memref<!tpu.dma_semaphore, #tpu.memory_space<semaphore_mem>>)
        %dma_wait3A_45 = arith.constant 0 : i32
        %dma_wait3A_46 = tpu.memref_slice %arg6[%mul3A_0, %dma_wait3A_45] : memref<10000x128xf32, #tpu.memory_space<hbm>> -> memref<624x128xf32, #tpu.memory_space<hbm>>
        %dma_wait3A_47 = arith.constant 0 : i32
        %dma_wait3A_48 = tpu.memref_slice %arg7[%mul3A_0, %dma_wait3A_47] : memref<10000x128xf32, #tpu.memory_space<vmem_shared>> -> memref<624x128xf32, #tpu.memory_space<vmem_shared>>
        tpu.wait_dma2 semaphore(%run_scoped3A : memref<!tpu.dma_semaphore, #tpu.memory_space<semaphore_mem>>) src(%dma_wait3A_48 : memref<624x128xf32, #tpu.memory_space<vmem_shared>>) dst(%dma_wait3A_46 : memref<624x128xf32, #tpu.memory_space<hbm>>)
        tpu.yield
      }) : () -> ()
      %eq3A_36 = arith.constant 15 : i32
      %eq3A_37 = arith.cmpi eq, %arg1, %eq3A_36 : i32
      %convert_element_type3A_38 = arith.extui %eq3A_37 : i1 to i32
      %cond3A_39 = arith.constant 0 : i32
      %cond3A_40 = arith.cmpi ne, %convert_element_type3A_38, %cond3A_39 : i32
      scf.if %cond3A_40 {
        "tpu.region"() ({
          %run_scoped3A = tpu.sem_alloc : memref<!tpu.dma_semaphore, #tpu.memory_space<semaphore_mem>>
          %dma_start3A_41 = arith.constant 9984 : i32
          %dma_start3A_42 = arith.constant 0 : i32
          %dma_start3A_43 = tpu.memref_slice %arg6[%dma_start3A_41, %dma_start3A_42] : memref<10000x128xf32, #tpu.memory_space<hbm>> -> memref<16x128xf32, #tpu.memory_space<hbm>>
          %dma_start3A_44 = arith.constant 9984 : i32
          %dma_start3A_45 = arith.constant 0 : i32
          %dma_start3A_46 = tpu.memref_slice %arg7[%dma_start3A_44, %dma_start3A_45] : memref<10000x128xf32, #tpu.memory_space<vmem_shared>> -> memref<16x128xf32, #tpu.memory_space<vmem_shared>>
          tpu.enqueue_dma source(%dma_start3A_46 : memref<16x128xf32, #tpu.memory_space<vmem_shared>>) target(%dma_start3A_43 : memref<16x128xf32, #tpu.memory_space<hbm>>) target_semaphore(%run_scoped3A : memref<!tpu.dma_semaphore, #tpu.memory_space<semaphore_mem>>)
          %dma_wait3A_47 = arith.constant 9984 : i32
          %dma_wait3A_48 = arith.constant 0 : i32
          %dma_wait3A_49 = tpu.memref_slice %arg6[%dma_wait3A_47, %dma_wait3A_48] : memref<10000x128xf32, #tpu.memory_space<hbm>> -> memref<16x128xf32, #tpu.memory_space<hbm>>
          %dma_wait3A_50 = arith.constant 9984 : i32
          %dma_wait3A_51 = arith.constant 0 : i32
          %dma_wait3A_52 = tpu.memref_slice %arg7[%dma_wait3A_50, %dma_wait3A_51] : memref<10000x128xf32, #tpu.memory_space<vmem_shared>> -> memref<16x128xf32, #tpu.memory_space<vmem_shared>>
          tpu.wait_dma2 semaphore(%run_scoped3A : memref<!tpu.dma_semaphore, #tpu.memory_space<semaphore_mem>>) src(%dma_wait3A_52 : memref<16x128xf32, #tpu.memory_space<vmem_shared>>) dst(%dma_wait3A_49 : memref<16x128xf32, #tpu.memory_space<hbm>>)
          tpu.yield
        }) : () -> ()
      } else {
      }
    } else {
    }
    return
  }
}

module attributes {stable_mosaic.version = 14 : i64} {
  func.func @_node_body(%arg0: i32, %arg1: memref<2000x128xf32, #tpu.memory_space<vmem>>, %arg2: memref<2000x128xf32, #tpu.memory_space<vmem>>, %arg3: memref<128x128xf32, #tpu.memory_space<vmem>>, %arg4: memref<1x128xf32, #tpu.memory_space<vmem>>, %arg5: memref<2000x128xf32, #tpu.memory_space<vmem>>) attributes {dimension_semantics = [#tpu.dimension_semantics<arbitrary>], iteration_bounds = array<i64: 5>, scalar_prefetch = 0 : i64, scratch_operands = 0 : i64, tpu.core_type = #tpu.core_type<tc>, window_params = [{transform_indices = @transform_0, window_bounds = array<i64: 2000, 128>}, {transform_indices = @transform_1, window_bounds = array<i64: 2000, 128>}, {pipeline_mode = #tpu.pipeline_mode<synchronous>, transform_indices = @transform_2, window_bounds = array<i64: 128, 128>}, {pipeline_mode = #tpu.pipeline_mode<synchronous>, transform_indices = @transform_3, window_bounds = array<i64: 1, 128>}, {transform_indices = @transform_4, window_bounds = array<i64: 2000, 128>}]} {
    %get3A = arith.constant 0 : index
    %get3A_0 = arith.constant 0 : index
    %get3A_1 = vector.load %arg1[%get3A, %get3A_0] : memref<2000x128xf32, #tpu.memory_space<vmem>>, vector<2000x128xf32>
    %get3A_2 = arith.constant 0 : index
    %get3A_3 = arith.constant 0 : index
    %get3A_4 = vector.load %arg2[%get3A_2, %get3A_3] : memref<2000x128xf32, #tpu.memory_space<vmem>>, vector<2000x128xf32>
    %add3A = arith.addf %get3A_1, %get3A_4 : vector<2000x128xf32>
    %max3A = arith.constant 0.000000e+00 : f32
    %max3A_5 = vector.broadcast %max3A : f32 to vector<2000x128xf32>
    %max3A_6 = arith.maximumf %add3A, %max3A_5 : vector<2000x128xf32>
    %convert_element_type3A = arith.truncf %max3A_6 : vector<2000x128xf32> to vector<2000x128xbf16>
    %get3A_7 = arith.constant 0 : index
    %get3A_8 = arith.constant 0 : index
    %get3A_9 = vector.load %arg3[%get3A_7, %get3A_8] : memref<128x128xf32, #tpu.memory_space<vmem>>, vector<128x128xf32>
    %convert_element_type3A_10 = arith.truncf %get3A_9 : vector<128x128xf32> to vector<128x128xbf16>
    %dot_general3A = arith.constant dense<0.000000e+00> : vector<2000x128xf32>
    %dot_general3A_11 = tpu.matmul %convert_element_type3A, %convert_element_type3A_10, %dot_general3A {dimension_numbers = #tpu.dot_dimension_numbers<[1], [0], [0], [1], [0, 0, 1, 1], [], []>, transpose_lhs_hint = false} : vector<2000x128xbf16>, vector<128x128xbf16>, vector<2000x128xf32> -> vector<2000x128xf32>
    %get3A_12 = arith.constant 0 : index
    %get3A_13 = arith.constant 0 : index
    %get3A_14 = vector.load %arg4[%get3A_12, %get3A_13] : memref<1x128xf32, #tpu.memory_space<vmem>>, vector<1x128xf32>
    %add3A_15 = vector.broadcast %get3A_14 : vector<1x128xf32> to vector<2000x128xf32>
    %add3A_16 = arith.addf %dot_general3A_11, %add3A_15 : vector<2000x128xf32>
    %max3A_17 = arith.constant 0.000000e+00 : f32
    %max3A_18 = vector.broadcast %max3A_17 : f32 to vector<2000x128xf32>
    %max3A_19 = arith.maximumf %add3A_16, %max3A_18 : vector<2000x128xf32>
    %swap3A = arith.constant 0 : index
    %swap3A_20 = arith.constant 0 : index
    %swap3A_21 = vector.load %arg5[%swap3A, %swap3A_20] : memref<2000x128xf32, #tpu.memory_space<vmem>>, vector<2000x128xf32>
    tpu.vector_store %arg5[%swap3A, %swap3A_20], %max3A_19 {strides = array<i32>} : memref<2000x128xf32, #tpu.memory_space<vmem>>, vector<2000x128xf32>,
    return
  }
  func.func @transform_0(%arg0: i32) -> (i32, i32) {
    %c0_i32 = arith.constant 0 : i32
    %c0_i32_0 = arith.constant 0 : i32
    return %arg0, %c0_i32 : i32, i32
  }
  func.func @transform_1(%arg0: i32) -> (i32, i32) {
    %c0_i32 = arith.constant 0 : i32
    %c0_i32_0 = arith.constant 0 : i32
    return %arg0, %c0_i32 : i32, i32
  }
  func.func @transform_2(%arg0: i32) -> (i32, i32) {
    %c0_i32 = arith.constant 0 : i32
    %c0_i32_0 = arith.constant 0 : i32
    %c0_i32_1 = arith.constant 0 : i32
    return %c0_i32, %c0_i32_0 : i32, i32
  }
  func.func @transform_3(%arg0: i32) -> (i32, i32) {
    %c0_i32 = arith.constant 0 : i32
    %c0_i32_0 = arith.constant 0 : i32
    %c0_i32_1 = arith.constant 0 : i32
    return %c0_i32, %c0_i32_0 : i32, i32
  }
  func.func @transform_4(%arg0: i32) -> (i32, i32) {
    %c0_i32 = arith.constant 0 : i32
    %c0_i32_0 = arith.constant 0 : i32
    return %arg0, %c0_i32 : i32, i32
  }
}

module attributes {stable_mosaic.version = 14 : i64} {
  func.func @_fused_body(%arg0: i32, %arg1: memref<2048x280xbf16, #tpu.memory_space<vmem>>, %arg2: memref<1x8xf32, #tpu.memory_space<vmem>>, %arg3: memref<280x512xf32, #tpu.memory_space<vmem>>, %arg4: memref<1x512xf32, #tpu.memory_space<vmem>>, %arg5: memref<2048x512xf32, #tpu.memory_space<vmem>>, %arg6: memref<1x512xf32, #tpu.memory_space<vmem>>, %arg7: memref<512x128xf32, #tpu.memory_space<vmem>>, %arg8: memref<512x128xf32, #tpu.memory_space<vmem>>, %arg9: memref<2000x128xf32, #tpu.memory_space<vmem>>, %arg10: memref<128x128xf32, #tpu.memory_space<vmem>>, %arg11: memref<8x128xf32, #tpu.memory_space<vmem>>, %arg12: memref<1x128xf32, #tpu.memory_space<vmem>>, %arg13: memref<2048x512xf32, #tpu.memory_space<vmem>>, %arg14: memref<4096x128xf32, #tpu.memory_space<vmem>>, %arg15: memref<2000x128xf32, #tpu.memory_space<vmem>>, %arg16: memref<2048x2048xbf16, #tpu.memory_space<vmem>>) attributes {dimension_semantics = [#tpu.dimension_semantics<arbitrary>], iteration_bounds = array<i64: 13>, scalar_prefetch = 0 : i64, scratch_operands = 1 : i64, tpu.core_type = #tpu.core_type<tc>, window_params = [{pipeline_mode = #tpu.pipeline_mode<synchronous>, transform_indices = @transform_0, window_bounds = array<i64: 2048, 280>}, {pipeline_mode = #tpu.pipeline_mode<synchronous>, transform_indices = @transform_1, window_bounds = array<i64: 1, 8>}, {transform_indices = @transform_2, window_bounds = array<i64: 280, 512>}, {transform_indices = @transform_3, window_bounds = array<i64: 1, 512>}, {transform_indices = @transform_4, window_bounds = array<i64: 2048, 512>}, {transform_indices = @transform_5, window_bounds = array<i64: 1, 512>}, {transform_indices = @transform_6, window_bounds = array<i64: 512, 128>}, {transform_indices = @transform_7, window_bounds = array<i64: 512, 128>}, {transform_indices = @transform_8, window_bounds = array<i64: 2000, 128>}, {pipeline_mode = #tpu.pipeline_mode<synchronous>, transform_indices = @transform_9, window_bounds = array<i64: 128, 128>}, {pipeline_mode = #tpu.pipeline_mode<synchronous>, transform_indices = @transform_10, window_bounds = array<i64: 8, 128>}, {pipeline_mode = #tpu.pipeline_mode<synchronous>, transform_indices = @transform_11, window_bounds = array<i64: 1, 128>}, {transform_indices = @transform_12, window_bounds = array<i64: 2048, 512>}, {pipeline_mode = #tpu.pipeline_mode<synchronous>, transform_indices = @transform_13, window_bounds = array<i64: 4096, 128>}, {transform_indices = @transform_14, window_bounds = array<i64: 2000, 128>}]} {
    %eq3A = arith.constant 0 : i32
    %eq3A_0 = arith.cmpi eq, %arg0, %eq3A : i32
    %convert_element_type3A = arith.extui %eq3A_0 : i1 to i32
    %cond3A = arith.constant 0 : i32
    %cond3A_1 = arith.cmpi ne, %convert_element_type3A, %cond3A : i32
    scf.if %cond3A_1 {
      %get3A = arith.constant 0 : index
      %get3A_27 = arith.constant 0 : index
      %get3A_28 = vector.load %arg1[%get3A, %get3A_27] : memref<2048x280xbf16, #tpu.memory_space<vmem>>, vector<2048x280xbf16>
      %get3A_29 = arith.constant 0 : index
      %get3A_30 = arith.constant 0 : index
      %get3A_31 = vector.load %arg3[%get3A_29, %get3A_30] : memref<280x512xf32, #tpu.memory_space<vmem>>, vector<280x512xf32>
      %convert_element_type3A_32 = arith.truncf %get3A_31 : vector<280x512xf32> to vector<280x512xbf16>
      %dot_general3A = arith.constant dense<0.000000e+00> : vector<2048x512xf32>
      %dot_general3A_33 = tpu.matmul %get3A_28, %convert_element_type3A_32, %dot_general3A {dimension_numbers = #tpu.dot_dimension_numbers<[1], [0], [0], [1], [0, 0, 1, 1], [], []>, transpose_lhs_hint = false} : vector<2048x280xbf16>, vector<280x512xbf16>, vector<2048x512xf32> -> vector<2048x512xf32>
      %get3A_34 = arith.constant 0 : index
      %get3A_35 = arith.constant 0 : index
      %get3A_36 = vector.load %arg4[%get3A_34, %get3A_35] : memref<1x512xf32, #tpu.memory_space<vmem>>, vector<1x512xf32>
      %add3A = vector.broadcast %get3A_36 : vector<1x512xf32> to vector<2048x512xf32>
      %add3A_37 = arith.addf %dot_general3A_33, %add3A : vector<2048x512xf32>
      %max3A = arith.constant 0.000000e+00 : f32
      %max3A_38 = vector.broadcast %max3A : f32 to vector<2048x512xf32>
      %max3A_39 = arith.maximumf %add3A_37, %max3A_38 : vector<2048x512xf32>
      %convert_element_type3A_40 = arith.truncf %max3A_39 : vector<2048x512xf32> to vector<2048x512xbf16>
      %swap3A = arith.constant 0 : index
      %swap3A_41 = arith.constant 0 : index
      %swap3A_42 = vector.load %arg16[%swap3A, %swap3A_41] : memref<2048x2048xbf16, #tpu.memory_space<vmem>>, vector<2048x512xbf16>
      tpu.vector_store %arg16[%swap3A, %swap3A_41], %convert_element_type3A_40 {strides = array<i32>} : memref<2048x2048xbf16, #tpu.memory_space<vmem>>, vector<2048x512xbf16>,
    } else {
    }
    %eq3A_2 = arith.constant 1 : i32
    %eq3A_3 = arith.cmpi eq, %arg0, %eq3A_2 : i32
    %convert_element_type3A_4 = arith.extui %eq3A_3 : i1 to i32
    %cond3A_5 = arith.constant 0 : i32
    %cond3A_6 = arith.cmpi ne, %convert_element_type3A_4, %cond3A_5 : i32
    scf.if %cond3A_6 {
      %get3A = arith.constant 0 : index
      %get3A_27 = arith.constant 0 : index
      %get3A_28 = vector.load %arg1[%get3A, %get3A_27] : memref<2048x280xbf16, #tpu.memory_space<vmem>>, vector<2048x280xbf16>
      %get3A_29 = arith.constant 0 : index
      %get3A_30 = arith.constant 0 : index
      %get3A_31 = vector.load %arg3[%get3A_29, %get3A_30] : memref<280x512xf32, #tpu.memory_space<vmem>>, vector<280x512xf32>
      %convert_element_type3A_32 = arith.truncf %get3A_31 : vector<280x512xf32> to vector<280x512xbf16>
      %dot_general3A = arith.constant dense<0.000000e+00> : vector<2048x512xf32>
      %dot_general3A_33 = tpu.matmul %get3A_28, %convert_element_type3A_32, %dot_general3A {dimension_numbers = #tpu.dot_dimension_numbers<[1], [0], [0], [1], [0, 0, 1, 1], [], []>, transpose_lhs_hint = false} : vector<2048x280xbf16>, vector<280x512xbf16>, vector<2048x512xf32> -> vector<2048x512xf32>
      %get3A_34 = arith.constant 0 : index
      %get3A_35 = arith.constant 0 : index
      %get3A_36 = vector.load %arg4[%get3A_34, %get3A_35] : memref<1x512xf32, #tpu.memory_space<vmem>>, vector<1x512xf32>
      %add3A = vector.broadcast %get3A_36 : vector<1x512xf32> to vector<2048x512xf32>
      %add3A_37 = arith.addf %dot_general3A_33, %add3A : vector<2048x512xf32>
      %max3A = arith.constant 0.000000e+00 : f32
      %max3A_38 = vector.broadcast %max3A : f32 to vector<2048x512xf32>
      %max3A_39 = arith.maximumf %add3A_37, %max3A_38 : vector<2048x512xf32>
      %convert_element_type3A_40 = arith.truncf %max3A_39 : vector<2048x512xf32> to vector<2048x512xbf16>
      %swap3A = arith.constant 0 : index
      %swap3A_41 = arith.constant 512 : index
      %swap3A_42 = vector.load %arg16[%swap3A, %swap3A_41] : memref<2048x2048xbf16, #tpu.memory_space<vmem>>, vector<2048x512xbf16>
      tpu.vector_store %arg16[%swap3A, %swap3A_41], %convert_element_type3A_40 {strides = array<i32>} : memref<2048x2048xbf16, #tpu.memory_space<vmem>>, vector<2048x512xbf16>,
    } else {
    }
    %eq3A_7 = arith.constant 2 : i32
    %eq3A_8 = arith.cmpi eq, %arg0, %eq3A_7 : i32
    %convert_element_type3A_9 = arith.extui %eq3A_8 : i1 to i32
    %cond3A_10 = arith.constant 0 : i32
    %cond3A_11 = arith.cmpi ne, %convert_element_type3A_9, %cond3A_10 : i32
    scf.if %cond3A_11 {
      %get3A = arith.constant 0 : index
      %get3A_27 = arith.constant 0 : index
      %get3A_28 = vector.load %arg1[%get3A, %get3A_27] : memref<2048x280xbf16, #tpu.memory_space<vmem>>, vector<2048x280xbf16>
      %get3A_29 = arith.constant 0 : index
      %get3A_30 = arith.constant 0 : index
      %get3A_31 = vector.load %arg3[%get3A_29, %get3A_30] : memref<280x512xf32, #tpu.memory_space<vmem>>, vector<280x512xf32>
      %convert_element_type3A_32 = arith.truncf %get3A_31 : vector<280x512xf32> to vector<280x512xbf16>
      %dot_general3A = arith.constant dense<0.000000e+00> : vector<2048x512xf32>
      %dot_general3A_33 = tpu.matmul %get3A_28, %convert_element_type3A_32, %dot_general3A {dimension_numbers = #tpu.dot_dimension_numbers<[1], [0], [0], [1], [0, 0, 1, 1], [], []>, transpose_lhs_hint = false} : vector<2048x280xbf16>, vector<280x512xbf16>, vector<2048x512xf32> -> vector<2048x512xf32>
      %get3A_34 = arith.constant 0 : index
      %get3A_35 = arith.constant 0 : index
      %get3A_36 = vector.load %arg4[%get3A_34, %get3A_35] : memref<1x512xf32, #tpu.memory_space<vmem>>, vector<1x512xf32>
      %add3A = vector.broadcast %get3A_36 : vector<1x512xf32> to vector<2048x512xf32>
      %add3A_37 = arith.addf %dot_general3A_33, %add3A : vector<2048x512xf32>
      %max3A = arith.constant 0.000000e+00 : f32
      %max3A_38 = vector.broadcast %max3A : f32 to vector<2048x512xf32>
      %max3A_39 = arith.maximumf %add3A_37, %max3A_38 : vector<2048x512xf32>
      %convert_element_type3A_40 = arith.truncf %max3A_39 : vector<2048x512xf32> to vector<2048x512xbf16>
      %swap3A = arith.constant 0 : index
      %swap3A_41 = arith.constant 1024 : index
      %swap3A_42 = vector.load %arg16[%swap3A, %swap3A_41] : memref<2048x2048xbf16, #tpu.memory_space<vmem>>, vector<2048x512xbf16>
      tpu.vector_store %arg16[%swap3A, %swap3A_41], %convert_element_type3A_40 {strides = array<i32>} : memref<2048x2048xbf16, #tpu.memory_space<vmem>>, vector<2048x512xbf16>,
    } else {
    }
    %eq3A_12 = arith.constant 3 : i32
    %eq3A_13 = arith.cmpi eq, %arg0, %eq3A_12 : i32
    %convert_element_type3A_14 = arith.extui %eq3A_13 : i1 to i32
    %cond3A_15 = arith.constant 0 : i32
    %cond3A_16 = arith.cmpi ne, %convert_element_type3A_14, %cond3A_15 : i32
    scf.if %cond3A_16 {
      %get3A = arith.constant 0 : index
      %get3A_27 = arith.constant 0 : index
      %get3A_28 = vector.load %arg1[%get3A, %get3A_27] : memref<2048x280xbf16, #tpu.memory_space<vmem>>, vector<2048x280xbf16>
      %get3A_29 = arith.constant 0 : index
      %get3A_30 = arith.constant 0 : index
      %get3A_31 = vector.load %arg3[%get3A_29, %get3A_30] : memref<280x512xf32, #tpu.memory_space<vmem>>, vector<280x512xf32>
      %convert_element_type3A_32 = arith.truncf %get3A_31 : vector<280x512xf32> to vector<280x512xbf16>
      %dot_general3A = arith.constant dense<0.000000e+00> : vector<2048x512xf32>
      %dot_general3A_33 = tpu.matmul %get3A_28, %convert_element_type3A_32, %dot_general3A {dimension_numbers = #tpu.dot_dimension_numbers<[1], [0], [0], [1], [0, 0, 1, 1], [], []>, transpose_lhs_hint = false} : vector<2048x280xbf16>, vector<280x512xbf16>, vector<2048x512xf32> -> vector<2048x512xf32>
      %get3A_34 = arith.constant 0 : index
      %get3A_35 = arith.constant 0 : index
      %get3A_36 = vector.load %arg4[%get3A_34, %get3A_35] : memref<1x512xf32, #tpu.memory_space<vmem>>, vector<1x512xf32>
      %add3A = vector.broadcast %get3A_36 : vector<1x512xf32> to vector<2048x512xf32>
      %add3A_37 = arith.addf %dot_general3A_33, %add3A : vector<2048x512xf32>
      %max3A = arith.constant 0.000000e+00 : f32
      %max3A_38 = vector.broadcast %max3A : f32 to vector<2048x512xf32>
      %max3A_39 = arith.maximumf %add3A_37, %max3A_38 : vector<2048x512xf32>
      %convert_element_type3A_40 = arith.truncf %max3A_39 : vector<2048x512xf32> to vector<2048x512xbf16>
      %swap3A = arith.constant 0 : index
      %swap3A_41 = arith.constant 1536 : index
      %swap3A_42 = vector.load %arg16[%swap3A, %swap3A_41] : memref<2048x2048xbf16, #tpu.memory_space<vmem>>, vector<2048x512xbf16>
      tpu.vector_store %arg16[%swap3A, %swap3A_41], %convert_element_type3A_40 {strides = array<i32>} : memref<2048x2048xbf16, #tpu.memory_space<vmem>>, vector<2048x512xbf16>,
    } else {
    }
    %ge3A = arith.constant 4 : i32
    %ge3A_17 = arith.cmpi sge, %arg0, %ge3A : i32
    %lt3A = arith.constant 8 : i32
    %lt3A_18 = arith.cmpi slt, %arg0, %lt3A : i32
    %and3A = arith.andi %ge3A_17, %lt3A_18 : i1
    %convert_element_type3A_19 = arith.extui %and3A : i1 to i32
    %cond3A_20 = arith.constant 0 : i32
    %cond3A_21 = arith.cmpi ne, %convert_element_type3A_19, %cond3A_20 : i32
    scf.if %cond3A_21 {
      %get3A = arith.constant 0 : index
      %get3A_27 = arith.constant 0 : index
      %get3A_28 = vector.load %arg16[%get3A, %get3A_27] : memref<2048x2048xbf16, #tpu.memory_space<vmem>>, vector<2048x2048xbf16>
      %get3A_29 = arith.constant 0 : index
      %get3A_30 = arith.constant 0 : index
      %get3A_31 = vector.load %arg5[%get3A_29, %get3A_30] : memref<2048x512xf32, #tpu.memory_space<vmem>>, vector<2048x512xf32>
      %convert_element_type3A_32 = arith.truncf %get3A_31 : vector<2048x512xf32> to vector<2048x512xbf16>
      %dot_general3A = arith.constant dense<0.000000e+00> : vector<2048x512xf32>
      %dot_general3A_33 = tpu.matmul %get3A_28, %convert_element_type3A_32, %dot_general3A {dimension_numbers = #tpu.dot_dimension_numbers<[1], [0], [0], [1], [0, 0, 1, 1], [], []>, transpose_lhs_hint = false} : vector<2048x2048xbf16>, vector<2048x512xbf16>, vector<2048x512xf32> -> vector<2048x512xf32>
      %get3A_34 = arith.constant 0 : index
      %get3A_35 = arith.constant 0 : index
      %get3A_36 = vector.load %arg6[%get3A_34, %get3A_35] : memref<1x512xf32, #tpu.memory_space<vmem>>, vector<1x512xf32>
      %add3A = vector.broadcast %get3A_36 : vector<1x512xf32> to vector<2048x512xf32>
      %add3A_37 = arith.addf %dot_general3A_33, %add3A : vector<2048x512xf32>
      %max3A = arith.constant 0.000000e+00 : f32
      %max3A_38 = vector.broadcast %max3A : f32 to vector<2048x512xf32>
      %max3A_39 = arith.maximumf %add3A_37, %max3A_38 : vector<2048x512xf32>
      %swap3A = arith.constant 0 : index
      %swap3A_40 = arith.constant 0 : index
      %swap3A_41 = vector.load %arg13[%swap3A, %swap3A_40] : memref<2048x512xf32, #tpu.memory_space<vmem>>, vector<2048x512xf32>
      tpu.vector_store %arg13[%swap3A, %swap3A_40], %max3A_39 {strides = array<i32>} : memref<2048x512xf32, #tpu.memory_space<vmem>>, vector<2048x512xf32>,
      %convert_element_type3A_42 = arith.truncf %max3A_39 : vector<2048x512xf32> to vector<2048x512xbf16>
      %get3A_43 = arith.constant 0 : index
      %get3A_44 = arith.constant 0 : index
      %get3A_45 = vector.load %arg7[%get3A_43, %get3A_44] : memref<512x128xf32, #tpu.memory_space<vmem>>, vector<512x128xf32>
      %convert_element_type3A_46 = arith.truncf %get3A_45 : vector<512x128xf32> to vector<512x128xbf16>
      %dot_general3A_47 = arith.constant dense<0.000000e+00> : vector<2048x128xf32>
      %dot_general3A_48 = tpu.matmul %convert_element_type3A_42, %convert_element_type3A_46, %dot_general3A_47 {dimension_numbers = #tpu.dot_dimension_numbers<[1], [0], [0], [1], [0, 0, 1, 1], [], []>, transpose_lhs_hint = false} : vector<2048x512xbf16>, vector<512x128xbf16>, vector<2048x128xf32> -> vector<2048x128xf32>
      %get3A_49 = arith.constant 0 : index
      %get3A_50 = arith.constant 0 : index
      %get3A_51 = vector.load %arg8[%get3A_49, %get3A_50] : memref<512x128xf32, #tpu.memory_space<vmem>>, vector<512x128xf32>
      %convert_element_type3A_52 = arith.truncf %get3A_51 : vector<512x128xf32> to vector<512x128xbf16>
      %dot_general3A_53 = arith.constant dense<0.000000e+00> : vector<2048x128xf32>
      %dot_general3A_54 = tpu.matmul %convert_element_type3A_42, %convert_element_type3A_52, %dot_general3A_53 {dimension_numbers = #tpu.dot_dimension_numbers<[1], [0], [0], [1], [0, 0, 1, 1], [], []>, transpose_lhs_hint = false} : vector<2048x512xbf16>, vector<512x128xbf16>, vector<2048x128xf32> -> vector<2048x128xf32>
      %eq3A_55 = arith.constant 4 : i32
      %eq3A_56 = arith.cmpi eq, %arg0, %eq3A_55 : i32
      %convert_element_type3A_57 = arith.extui %eq3A_56 : i1 to i32
      %cond3A_58 = arith.constant 0 : i32
      %cond3A_59 = arith.cmpi ne, %convert_element_type3A_57, %cond3A_58 : i32
      scf.if %cond3A_59 {
        %swap3A_64 = arith.constant 0 : index
        %swap3A_65 = arith.constant 0 : index
        %swap3A_66 = vector.load %arg14[%swap3A_64, %swap3A_65] : memref<4096x128xf32, #tpu.memory_space<vmem>>, vector<2048x128xf32>
        tpu.vector_store %arg14[%swap3A_64, %swap3A_65], %dot_general3A_48 {strides = array<i32>} : memref<4096x128xf32, #tpu.memory_space<vmem>>, vector<2048x128xf32>,
        %swap3A_67 = arith.constant 2048 : index
        %swap3A_68 = arith.constant 0 : index
        %swap3A_69 = vector.load %arg14[%swap3A_67, %swap3A_68] : memref<4096x128xf32, #tpu.memory_space<vmem>>, vector<2048x128xf32>
        tpu.vector_store %arg14[%swap3A_67, %swap3A_68], %dot_general3A_54 {strides = array<i32>} : memref<4096x128xf32, #tpu.memory_space<vmem>>, vector<2048x128xf32>,
      } else {
      }
      %gt3A = arith.constant 4 : i32
      %gt3A_60 = arith.cmpi sgt, %arg0, %gt3A : i32
      %convert_element_type3A_61 = arith.extui %gt3A_60 : i1 to i32
      %cond3A_62 = arith.constant 0 : i32
      %cond3A_63 = arith.cmpi ne, %convert_element_type3A_61, %cond3A_62 : i32
      scf.if %cond3A_63 {
        %get3A_64 = arith.constant 0 : index
        %get3A_65 = arith.constant 0 : index
        %get3A_66 = vector.load %arg14[%get3A_64, %get3A_65] : memref<4096x128xf32, #tpu.memory_space<vmem>>, vector<2048x128xf32>
        %add3A_67 = arith.addf %get3A_66, %dot_general3A_48 : vector<2048x128xf32>
        %swap3A_68 = arith.constant 0 : index
        %swap3A_69 = arith.constant 0 : index
        %swap3A_70 = vector.load %arg14[%swap3A_68, %swap3A_69] : memref<4096x128xf32, #tpu.memory_space<vmem>>, vector<2048x128xf32>
        tpu.vector_store %arg14[%swap3A_68, %swap3A_69], %add3A_67 {strides = array<i32>} : memref<4096x128xf32, #tpu.memory_space<vmem>>, vector<2048x128xf32>,
        %get3A_71 = arith.constant 2048 : index
        %get3A_72 = arith.constant 0 : index
        %get3A_73 = vector.load %arg14[%get3A_71, %get3A_72] : memref<4096x128xf32, #tpu.memory_space<vmem>>, vector<2048x128xf32>
        %add3A_74 = arith.addf %get3A_73, %dot_general3A_54 : vector<2048x128xf32>
        %swap3A_75 = arith.constant 2048 : index
        %swap3A_76 = arith.constant 0 : index
        %swap3A_77 = vector.load %arg14[%swap3A_75, %swap3A_76] : memref<4096x128xf32, #tpu.memory_space<vmem>>, vector<2048x128xf32>
        tpu.vector_store %arg14[%swap3A_75, %swap3A_76], %add3A_74 {strides = array<i32>} : memref<4096x128xf32, #tpu.memory_space<vmem>>, vector<2048x128xf32>,
      } else {
      }
    } else {
    }
    %ge3A_22 = arith.constant 8 : i32
    %ge3A_23 = arith.cmpi sge, %arg0, %ge3A_22 : i32
    %convert_element_type3A_24 = arith.extui %ge3A_23 : i1 to i32
    %cond3A_25 = arith.constant 0 : i32
    %cond3A_26 = arith.cmpi ne, %convert_element_type3A_24, %cond3A_25 : i32
    scf.if %cond3A_26 {
      %get3A = arith.constant 0 : index
      %get3A_27 = arith.constant 0 : index
      %get3A_28 = vector.load %arg9[%get3A, %get3A_27] : memref<2000x128xf32, #tpu.memory_space<vmem>>, vector<2000x128xf32>
      %convert_element_type3A_29 = arith.truncf %get3A_28 : vector<2000x128xf32> to vector<2000x128xbf16>
      %get3A_30 = arith.constant 0 : index
      %get3A_31 = arith.constant 0 : index
      %get3A_32 = vector.load %arg10[%get3A_30, %get3A_31] : memref<128x128xf32, #tpu.memory_space<vmem>>, vector<128x128xf32>
      %convert_element_type3A_33 = arith.truncf %get3A_32 : vector<128x128xf32> to vector<128x128xbf16>
      %dot_general3A = arith.constant dense<0.000000e+00> : vector<2000x128xf32>
      %dot_general3A_34 = tpu.matmul %convert_element_type3A_29, %convert_element_type3A_33, %dot_general3A {dimension_numbers = #tpu.dot_dimension_numbers<[1], [0], [0], [1], [0, 0, 1, 1], [], []>, transpose_lhs_hint = false} : vector<2000x128xbf16>, vector<128x128xbf16>, vector<2000x128xf32> -> vector<2000x128xf32>
      %get3A_35 = arith.constant 0 : index
      %get3A_36 = arith.constant 0 : index
      %get3A_37 = vector.load %arg2[%get3A_35, %get3A_36] : memref<1x8xf32, #tpu.memory_space<vmem>>, vector<1x8xf32>
      %get3A_38 = arith.constant 0 : index
      %get3A_39 = arith.constant 0 : index
      %get3A_40 = vector.load %arg11[%get3A_38, %get3A_39] : memref<8x128xf32, #tpu.memory_space<vmem>>, vector<8x128xf32>
      %dot_general3A_41 = arith.constant dense<0.000000e+00> : vector<1x128xf32>
      %dot_general3A_42 = tpu.matmul %get3A_37, %get3A_40, %dot_general3A_41 {dimension_numbers = #tpu.dot_dimension_numbers<[1], [0], [0], [1], [0, 0, 1, 1], [], []>, transpose_lhs_hint = false} : vector<1x8xf32>, vector<8x128xf32>, vector<1x128xf32> -> vector<1x128xf32>
      %add3A = vector.broadcast %dot_general3A_42 : vector<1x128xf32> to vector<2000x128xf32>
      %add3A_43 = arith.addf %dot_general3A_34, %add3A : vector<2000x128xf32>
      %get3A_44 = arith.constant 0 : index
      %get3A_45 = arith.constant 0 : index
      %get3A_46 = vector.load %arg12[%get3A_44, %get3A_45] : memref<1x128xf32, #tpu.memory_space<vmem>>, vector<1x128xf32>
      %add3A_47 = vector.broadcast %get3A_46 : vector<1x128xf32> to vector<2000x128xf32>
      %add3A_48 = arith.addf %add3A_43, %add3A_47 : vector<2000x128xf32>
      %mul3A = arith.constant 5.000000e-01 : f32
      %mul3A_49 = vector.broadcast %mul3A : f32 to vector<2000x128xf32>
      %mul3A_50 = arith.mulf %mul3A_49, %add3A_48 : vector<2000x128xf32>
      %swap3A = arith.constant 0 : index
      %swap3A_51 = arith.constant 0 : index
      %swap3A_52 = vector.load %arg15[%swap3A, %swap3A_51] : memref<2000x128xf32, #tpu.memory_space<vmem>>, vector<2000x128xf32>
      tpu.vector_store %arg15[%swap3A, %swap3A_51], %mul3A_50 {strides = array<i32>} : memref<2000x128xf32, #tpu.memory_space<vmem>>, vector<2000x128xf32>,
    } else {
    }
    return
  }
  func.func @transform_0(%arg0: i32) -> (i32, i32) {
    %c0_i32 = arith.constant 0 : i32
    %c0_i32_0 = arith.constant 0 : i32
    %c0_i32_1 = arith.constant 0 : i32
    return %c0_i32, %c0_i32_0 : i32, i32
  }
  func.func @transform_1(%arg0: i32) -> (i32, i32) {
    %c0_i32 = arith.constant 0 : i32
    %c0_i32_0 = arith.constant 0 : i32
    %c0_i32_1 = arith.constant 0 : i32
    return %c0_i32, %c0_i32_0 : i32, i32
  }
  func.func @transform_2(%arg0: i32) -> (i32, i32) {
    %min3A = arith.constant 3 : i32
    %min3A_0 = arith.minsi %arg0, %min3A : i32
    %c0_i32 = arith.constant 0 : i32
    %c0_i32_1 = arith.constant 0 : i32
    return %c0_i32, %min3A_0 : i32, i32
  }
  func.func @transform_3(%arg0: i32) -> (i32, i32) {
    %min3A = arith.constant 3 : i32
    %min3A_0 = arith.minsi %arg0, %min3A : i32
    %c0_i32 = arith.constant 0 : i32
    %c0_i32_1 = arith.constant 0 : i32
    return %c0_i32, %min3A_0 : i32, i32
  }
  func.func @transform_4(%arg0: i32) -> (i32, i32) {
    %sub3A = arith.constant 4 : i32
    %sub3A_0 = arith.subi %arg0, %sub3A : i32
    %jit3A = arith.constant 0 : i32
    %jit3A_1 = arith.constant 3 : i32
    %max3A = arith.maxsi %jit3A, %sub3A_0 : i32
    %min3A = arith.minsi %jit3A_1, %max3A : i32
    %c0_i32 = arith.constant 0 : i32
    %c0_i32_2 = arith.constant 0 : i32
    return %c0_i32, %min3A : i32, i32
  }
  func.func @transform_5(%arg0: i32) -> (i32, i32) {
    %sub3A = arith.constant 4 : i32
    %sub3A_0 = arith.subi %arg0, %sub3A : i32
    %jit3A = arith.constant 0 : i32
    %jit3A_1 = arith.constant 3 : i32
    %max3A = arith.maxsi %jit3A, %sub3A_0 : i32
    %min3A = arith.minsi %jit3A_1, %max3A : i32
    %c0_i32 = arith.constant 0 : i32
    %c0_i32_2 = arith.constant 0 : i32
    return %c0_i32, %min3A : i32, i32
  }
  func.func @transform_6(%arg0: i32) -> (i32, i32) {
    %sub3A = arith.constant 4 : i32
    %sub3A_0 = arith.subi %arg0, %sub3A : i32
    %jit3A = arith.constant 0 : i32
    %jit3A_1 = arith.constant 3 : i32
    %max3A = arith.maxsi %jit3A, %sub3A_0 : i32
    %min3A = arith.minsi %jit3A_1, %max3A : i32
    %c0_i32 = arith.constant 0 : i32
    %c0_i32_2 = arith.constant 0 : i32
    return %min3A, %c0_i32 : i32, i32
  }
  func.func @transform_7(%arg0: i32) -> (i32, i32) {
    %sub3A = arith.constant 4 : i32
    %sub3A_0 = arith.subi %arg0, %sub3A : i32
    %jit3A = arith.constant 0 : i32
    %jit3A_1 = arith.constant 3 : i32
    %max3A = arith.maxsi %jit3A, %sub3A_0 : i32
    %min3A = arith.minsi %jit3A_1, %max3A : i32
    %c0_i32 = arith.constant 0 : i32
    %c0_i32_2 = arith.constant 0 : i32
    return %min3A, %c0_i32 : i32, i32
  }
  func.func @transform_8(%arg0: i32) -> (i32, i32) {
    %sub3A = arith.constant 8 : i32
    %sub3A_0 = arith.subi %arg0, %sub3A : i32
    %jit3A = arith.constant 0 : i32
    %jit3A_1 = arith.constant 4 : i32
    %max3A = arith.maxsi %jit3A, %sub3A_0 : i32
    %min3A = arith.minsi %jit3A_1, %max3A : i32
    %c0_i32 = arith.constant 0 : i32
    %c0_i32_2 = arith.constant 0 : i32
    return %min3A, %c0_i32 : i32, i32
  }
  func.func @transform_9(%arg0: i32) -> (i32, i32) {
    %c0_i32 = arith.constant 0 : i32
    %c0_i32_0 = arith.constant 0 : i32
    %c0_i32_1 = arith.constant 0 : i32
    return %c0_i32, %c0_i32_0 : i32, i32
  }
  func.func @transform_10(%arg0: i32) -> (i32, i32) {
    %c0_i32 = arith.constant 0 : i32
    %c0_i32_0 = arith.constant 0 : i32
    %c0_i32_1 = arith.constant 0 : i32
    return %c0_i32, %c0_i32_0 : i32, i32
  }
  func.func @transform_11(%arg0: i32) -> (i32, i32) {
    %c0_i32 = arith.constant 0 : i32
    %c0_i32_0 = arith.constant 0 : i32
    %c0_i32_1 = arith.constant 0 : i32
    return %c0_i32, %c0_i32_0 : i32, i32
  }
  func.func @transform_12(%arg0: i32) -> (i32, i32) {
    %sub3A = arith.constant 4 : i32
    %sub3A_0 = arith.subi %arg0, %sub3A : i32
    %jit3A = arith.constant 0 : i32
    %jit3A_1 = arith.constant 3 : i32
    %max3A = arith.maxsi %jit3A, %sub3A_0 : i32
    %min3A = arith.minsi %jit3A_1, %max3A : i32
    %c0_i32 = arith.constant 0 : i32
    %c0_i32_2 = arith.constant 0 : i32
    return %c0_i32, %min3A : i32, i32
  }
  func.func @transform_13(%arg0: i32) -> (i32, i32) {
    %c0_i32 = arith.constant 0 : i32
    %c0_i32_0 = arith.constant 0 : i32
    %c0_i32_1 = arith.constant 0 : i32
    return %c0_i32, %c0_i32_0 : i32, i32
  }
  func.func @transform_14(%arg0: i32) -> (i32, i32) {
    %sub3A = arith.constant 8 : i32
    %sub3A_0 = arith.subi %arg0, %sub3A : i32
    %jit3A = arith.constant 0 : i32
    %jit3A_1 = arith.constant 4 : i32
    %max3A = arith.maxsi %jit3A, %sub3A_0 : i32
    %min3A = arith.minsi %jit3A_1, %max3A : i32
    %c0_i32 = arith.constant 0 : i32
    %c0_i32_2 = arith.constant 0 : i32
    return %min3A, %c0_i32 : i32, i32
  }
}

</mosaic_0001>

<sc_bundles>
// kernel: kernel.6.cloned.1.call-start
scs
__scs_entry_jumppad:
0x0: {  	(pc) =	sbr.rel $0x88, $3  }
0x1: {  	(tag) =	ssettag $0x0;
	lr =	simm.s32 $0x1  }
0x2: {  	[smem:$0x3F92] =	sst lr;
	_ =	strace $0xD0000000  }
0x3: {  	_ = 	snop  }
0x4: {  	_ = 	snop  }
0x5: {  	_ = 	snop  }
0x6: {  	_ = 	snop  }
0x7: {  	_ = 	snop  }
__scs_overlays_trampoline_lowered:
0x8: {  	[smem:$0x3FA1] =	sst s0  }
0x9: {  	[smem:$0x3FA2] =	sst s1  }
0xa: {  	[smem:$0x3FA3] =	sst s2  }
0xb: {  	[smem:$0x3FA4] =	sst s3  }
0xc: {  	[smem:$0x3FA5] =	sst s4  }
0xd: {  	[smem:$0x3FA6] =	sst s5  }
0xe: {  	[smem:$0x3FA7] =	sst s6  }
0xf: {  	[smem:$0x3FA8] =	sst s7  }
0x10: {  	[smem:$0x3FA9] =	sst s8  }
0x11: {  	[smem:$0x3FAA] =	sst s9;
	s0 =	simm.s32 @!p0 $0x0  }
0x12: {  	s1 =	sld [smem:$0x3F90];
	s0 =	simm.s32 @p0 $0x1  }
0x13: {  	[smem:$0x3FAB] =	sst s0;
	s0 =	simm.s32 @!p1 $0x0  }
0x14: {  	s2 =	sld [smem:$0x3F8F];
	s0 =	simm.s32 @p1 $0x1  }
0x15: {  	[smem:$0x3FAC] =	sst s0;
	s0 =	simm.s32 @!p2 $0x0  }
0x16: {  	s3 =	sld [smem:$0x3FDB];
	s0 =	simm.s32 @p2 $0x1  }
0x17: {  	s4 =	simm.s32 $0x1BF5;
	[smem:$0x3FAE] =	sst s0  }
0x18: {  	s0 =	sld [smem:$0x3F91];
	_ =	swait.ge [sflag:s4], $0x0  }
0x19: {  	s7 =	sld [smem:$0x3F92]  }
0x1a: {  	s8 =	sadd.s32 $0xFFFFE003, lr  }
0x1b: {  	s9 =	sadd.s32 $0xFFFFFEF7, lr;
	s5 =	simm.s32 $0xFFFFFFFF;
	p2 =	slt.u32 s8, $0xFFFFF086  }
0x1c: {  	p1 =	slt.u32 s9, $0xF7A;
	s5 =	simm.s32 @!p2 $0x0  }
0x1d: {  	s5 =	simm.s32 @p1 $0x1;
	p0 =	seq.s32 s7, s2  }
0x1e: {  	s7 =	smul.u32 @!p0 $0xF7A, s2;
	p2 =	seq.s32 @!p0 s5, $0x0  }
0x1f: {  	s9 =	smul.u32 $0xF7A, s1;
	s8 =	simm.s32 @!p0 $0x1BF5;
	p2 =	por !p2, p0  }
0x20: {  	[sflag:s8] =	ssyncset.s32 @!p0 $0xFFFFF086;
	s6 =	sadd.s32 @!p0 s3, s7;
	s7 =	simm.s32 @!p0 $0x108  }
0x21: {  	s3 =	sadd.s32 s3, s9;
	s6 =	sadd.s32 @!p0 $0x88, s6;
	s7 =	simm.s32 @p2 $0x1082  }
0x22: {  	[simem:s7], [sflag:s8] =	dma.local @!p0 [hbm:s6], $0xF7A  }
0x23: {  	s9 =	sor.u32 $0xD0000000, s2;
	s6 =	simm.s32 $0x108;
	_ =	swait.ge @!p0 [sflag:s8], $0x0  }
0x24: {  	s3 =	sadd.s32 $0x88, s3;
	s6 =	simm.s32 @!p1 $0x1082;
	[sflag:s4] =	ssyncset.s32 $0xFFFFF086  }
0x25: {  	[simem:s6], [sflag:s4] =	dma.local [hbm:s3], $0xF7A  }
0x26: {  	[smem:$0x3F92] =	sst s1;
	(tag) =	ssettag s2;
	_ =	strace s9  }
0x27: {  	s1 =	sld [smem:$0x3FA2]  }
0x28: {  	s2 =	sld [smem:$0x3FA3]  }
0x29: {  	s4 =	sld [smem:$0x3FA5]  }
0x2a: {  	p0 =	seq.s32 s5, $0x0;
	s5 =	sld [smem:$0x3FA6]  }
0x2b: {  	s6 =	sld [smem:$0x3FA7]  }
0x2c: {  	s7 =	sld [smem:$0x3FA8]  }
0x2d: {  	s3 =	simm.s32 $0x108;
	s8 =	sld [smem:$0x3FA9]  }
0x2e: {  	s3 =	simm.s32 @!p0 $0x1082;
	s9 =	sld [smem:$0x3FAA]  }
0x2f: {  	lr =	sadd.s32 s0, s3;
	s0 =	sld [smem:$0x3FA1]  }
0x30: {  	s3 =	sld [smem:$0x3FA4]  }
0x31: {  	[smem:$0x3FAD] =	sst s10  }
0x32: {  	s10 =	sld [smem:$0x3FAB];
	_ =	sdelay $0x3  }
0x33: {  	p0 =	seq.s32 s10, $0x1;
	s10 =	sld [smem:$0x3FAD];
	_ =	sdelay $0x3  }
0x34: {  	[smem:$0x3FAD] =	sst s10  }
0x35: {  	s10 =	sld [smem:$0x3FAC];
	_ =	sdelay $0x3  }
0x36: {  	p1 =	seq.s32 s10, $0x1;
	s10 =	sld [smem:$0x3FAD];
	_ =	sdelay $0x3  }
0x37: {  	[smem:$0x3FAD] =	sst s10  }
0x38: {  	s10 =	sld [smem:$0x3FAE]  }
0x39: {  	_ = 	snop;
	(pc) =	sbr.ind lr, $3  }
0x3a: {  	_ = 	snop  }
0x3b: {  	_ = 	snop  }
0x3c: {  	p2 =	seq.s32 s10, $0x1;
	s10 =	sld [smem:$0x3FAD]  }
0x3d: {  	_ =	shalt  }
0x3e: {  	_ =	shalt  }
0x3f: {  	_ =	shalt  }
0x40: {  	_ =	shalt  }
0x41: {  	_ =	shalt  }
0x42: {  	_ =	shalt  }
0x43: {  	_ =	shalt  }
0x44: {  	_ =	shalt  }
0x45: {  	_ =	shalt  }
0x46: {  	_ =	shalt  }
0x47: {  	_ =	shalt  }
0x48: {  	_ =	shalt  }
0x49: {  	_ =	shalt  }
0x4a: {  	_ =	shalt  }
0x4b: {  	_ =	shalt  }
0x4c: {  	_ =	shalt  }
0x4d: {  	_ =	shalt  }
0x4e: {  	_ =	shalt  }
0x4f: {  	_ =	shalt  }
0x50: {  	_ =	shalt  }
0x51: {  	_ =	shalt  }
0x52: {  	_ =	shalt  }
0x53: {  	_ =	shalt  }
0x54: {  	_ =	shalt  }
0x55: {  	_ =	shalt  }
0x56: {  	_ =	shalt  }
0x57: {  	_ =	shalt  }
0x58: {  	_ =	shalt  }
0x59: {  	_ =	shalt  }
0x5a: {  	_ =	shalt  }
0x5b: {  	_ =	shalt  }
0x5c: {  	_ =	shalt  }
0x5d: {  	_ =	shalt  }
0x5e: {  	_ =	shalt  }
0x5f: {  	_ =	shalt  }
0x60: {  	_ =	shalt  }
0x61: {  	_ =	shalt  }
0x62: {  	_ =	shalt  }
0x63: {  	_ =	shalt  }
0x64: {  	_ =	shalt  }
0x65: {  	_ =	shalt  }
0x66: {  	_ =	shalt  }
0x67: {  	_ =	shalt  }
0x68: {  	_ =	shalt  }
0x69: {  	_ =	shalt  }
0x6a: {  	_ =	shalt  }
0x6b: {  	_ =	shalt  }
0x6c: {  	_ =	shalt  }
0x6d: {  	_ =	shalt  }
0x6e: {  	_ =	shalt  }
0x6f: {  	_ =	shalt  }
0x70: {  	_ =	shalt  }
0x71: {  	_ =	shalt  }
0x72: {  	_ =	shalt  }
0x73: {  	_ =	shalt  }
0x74: {  	_ =	shalt  }
0x75: {  	_ =	shalt  }
0x76: {  	_ =	shalt  }
0x77: {  	_ =	shalt  }
0x78: {  	_ =	shalt  }
0x79: {  	_ =	shalt  }
0x7a: {  	_ =	shalt  }
0x7b: {  	_ =	shalt  }
0x7c: {  	_ =	shalt  }
0x7d: {  	_ =	shalt  }
0x7e: {  	_ =	shalt  }
0x7f: {  	_ =	shalt  }
0x80: {  	_ =	shalt  }
0x81: {  	_ =	shalt  }
0x82: {  	_ =	shalt  }
0x83: {  	_ =	shalt  }
0x84: {  	_ =	shalt  }
0x85: {  	_ =	shalt  }
0x86: {  	_ =	shalt  }
0x87: {  	_ =	shalt  }
.Lfunc_end0:
.L_simem_size_0:
called_computation_lowered:
.L_overlay_start_0:
0x88: {  	s2 =	sld [smem:$0x3FD9]  }
0x89: {  	s3 =	sld [smem:$0x3FFE];
	_ =	sdelay $0x1  }
0x8a: {  	s1 =	srdreg.scid  }
0x8b: {  	s0 =	sand.u32 $0x1, s1  }
0x8c: {  	s14 =	sshll.u32 s0, $0xA;
	s2 =	sadd.s32 s3, s2  }
0x8d: {  	s2 =	sadd.s32 s2, s14  }
0x8e: {  	[smem:$0x3FB9] =	sst s2  }
0x8f: {  	_ = 	snop  }
0x90: {  	s2 =	sld [smem:$0x3FD0];
	_ =	sdelay $0x2  }
0x91: {  	s4 =	simm.s32 $0xA;
	s5 =	simm.s32 $0x10;
	s15 =	sld [smem:$0x3FC9]  }
0x92: {  	[smem:s5], [sflag:s4] =	dma.local [hbm:s2], $0x1  }
0x93: {  	_ =	swait.eq [sflag:s4], $0x1  }
0x94: {  	[sflag:s4] =	ssyncset.done $0x0  }
0x95: {  	[sflag:s4] =	ssyncadd.s32 $0xFFFFFFFF  }
0x96: {  	s16 =	sld [smem:$0x10];
	(tm) =	ssettm $0x1  }
0x97: {  	s17 =	sld [smem:$0x3FFB];
	_ =	sdelay $0x3  }
0x98: {  	_ =	strace s17  }
0x99: {  	s4 =	sld [smem:$0x3FFC];
	_ =	sdelay $0x3  }
0x9a: {  	_ =	strace s4  }
0x9b: {  	s4 =	sld [smem:$0x3FFD];
	_ =	sdelay $0x3  }
0x9c: {  	_ =	strace s4  }
0x9d: {  	_ =	strace $0x8FFFFFFF  }
0x9e: {  	s18 =	sld [smem:$0x3FDB];
	_ =	sdelay $0x1  }
0x9f: {  	s19 =	simm.s32 $_scs_section_size  }
0xa0: {  	s6 =	simm.s32 $_size__tile_overlayer_lowered;
	s7 =	simm.s32 $_tile_overlayer_lowered  }
0xa1: {  	s22 =	simm.s32 $0x1BFF;
	s21 =	sshll.u32 s7, $0x1;
	s4 =	sadd.s32 s19, s18  }
0xa2: {  	s8 =	simm.s32 $0x0;
	s20 =	sshll.u32 s6, $0x1;
	s6 =	sadd.s32 s21, s4  }
0xa3: {  	[timem:s8], [sflag:s22] =	dma.local [hbm:s6], s20  }
0xa4: {  	_ =	swait.ge [sflag:s22], s20  }
0xa5: {  	s5 =	ssub.s32 $0x0, s20;
	[sflag:s22] =	ssyncset.done $0x0  }
0xa6: {  	[sflag:s22] =	ssyncadd.s32 s5;
	_ =	sdelay $0x1  }
0xa7: {  	s23 =	simm.s32 $0x1B8B  }
0xa8: {  	_ =	swait.ge [sflag:s23], $0x1  }
0xa9: {  	[sflag:s23] =	ssyncset.done $0x0  }
0xaa: {  	s25 =	simm.s32 $0x1B8E;
	s24 =	sld [smem:$0x3FFE];
	[sflag:s23] =	ssyncadd.s32 $0xFFFFFFFF  }
0xab: {  	s26 =	simm.s32 $execute0_lowered;
	[smem:$0x3FD2] =	sst s25  }
0xac: {  	s6 =	sshll.u32 s26, $0x1;
	_ =	strace $0x80000046;
	[dreg:$0x1] =	wrdreg $0xFFFFFFFF  }
0xad: {  	s28 =	simm.s32 $_size_execute0_lowered;
	s4 =	sadd.s32 s4, s6;
	[dreg:$0x0] =	wrdreg $0x0  }
0xae: {  	s6 =	sshll.u32 s28, $0x1;
	[dreg:$0x2] =	wrdreg s4  }
0xaf: {  	[dreg:$0x3] =	wrdreg s6  }
0xb0: {  	[dreg:$0x4] =	wrdreg $0xC0  }
0xb1: {  	_ =	task [dreg:s8], $0x5FFFF  }
0xb2: {  	[dreg:$0x1] =	wrdreg $0xFFFFFFFF  }
0xb3: {  	[dreg:$0x0] =	wrdreg $0x60  }
0xb4: {  	[dreg:$0x2] =	wrdreg s15  }
0xb5: {  	[dreg:$0x3] =	wrdreg s24  }
0xb6: {  	[dreg:$0x4] =	wrdreg s16  }
0xb7: {  	[dreg:$0x5] =	wrdreg $0x9  }
0xb8: {  	_ =	task.clear_ibuf [dreg:s8], $0x6FFFF;
	_ =	strace $0x90000046  }
0xb9: {  	s29 =	simm.s32 $0x9;
	_ =	strace $0x80000048  }
0xba: {  	_ =	swait.ge [sflag:s29], $0x1  }
0xbb: {  	[sflag:s29] =	ssyncadd.s32 $0xFFFFFFFF  }
0xbc: {  	_ =	strace $0x90000048  }
0xbd: {  	_ =	sfence  }
0xbe: {  	s30 =	sld [smem:$0x0];
	_ =	sdelay $0x2  }
0xbf: {  	s31 =	sshll.u32 s1, $0xD;
	s1 =	sshrl.u32 s1, $0x2  }
0xc0: {  	s3 =	sand.u32 $0x4000, s31;
	s1 =	sadd.s32 s1, s30  }
0xc1: {  	s0 =	sor.u32 s3, s0;
	s1 =	sshll.u32 s1, $0x11  }
0xc2: {  	s0 =	sor.u32 s1, s0  }
0xc3: {  	s0 =	sadd.s32 $0x8F2B, s0  }
0xc4: {  	[sflag:s0] =	ssyncadd.remote.s32 $0x1  }
0xc5: {  	_ =	sfence.sel $0xFFFF  }
0xc6: {  	[dreg:$0x0] =	wrdreg $0xFFFFFFFF;
	(pc) =	sbr.abs _section_cstart, $3  }
0xc7: {  	[dreg:$0x1] =	wrdreg $0xFFFFFFFF  }
0xc8: {  	_ =	task.clear_ibuf [dreg:s8], $0x2FFFF;
	_ =	strace $0x9FFFFFFF  }
0xc9: {  	(tm) =	ssettm $0x7FFFFFFF  }
tec
execute0_lowered:
.L_overlay_start_1:
0x0: {  	(tag) =	ssettag $0x1  }
0x1: {  	s2 =	srdreg.scid  }
0x2: {  	s1 =	rddreg [dreg:$0x0];
	s0 =	stileid.u32;
	s6 =	sand.u32 $0x1, s2  }
0x3: {  	s4 =	rddreg [dreg:$0x1];
	s30 =	sshll.u32 s0, $0x8;
	s3 =	sshll.u32 s6, $0x7  }
0x4: {  	s8 =	rddreg [dreg:$0x2];
	s9 =	sor.u32 s3, s30  }
0x5: {  	s2 =	rddreg [dreg:$0x3];
	s3 =	simm.s32 $0x0;
	s5 =	sshrl.u32 s9, $0x3  }
0x6: {  	s10 =	ssub.s32 $0x2, s6;
	[smem:$0x7FF] =	sst s3;
	s4 =	sadd.s32 s5, s4  }
0x7: {  	_ =	strace $0x80000047;
	s5 =	sadd.s32 $0x3A00, s4;
	s4 =	simm.s32 $0x2  }
0x8: {  	[tilespmem:s3], [sflag:$0x2] =	stream.linear.gather [hbm4b:s5+s3], $0x80, $0x38;
	[tilespmem:$0x4080] =	vst v63  }
0x9: {  	s11 =	sshrl.u32 s10, $0x1;
	_ =	swait.ge [sflag:s4], $0x80  }
0xa: {  	s7 =	simm.s32 $0x1;
	s10 =	ssub.s32 s10, s11;
	[sflag:s4] =	ssyncset.done $0x0  }
0xb: {  	s6 =	simm.s32 $0x80;
	s31 =	smax.u32 s10, $0x1;
	[sflag:s4] =	ssyncadd.s32 $0xFFFFFF80  }
0xc: {  	[tilespmem:s6], [sflag:$0x1] =	stream.indirect.gather [hbm4b:s1+s6], $0x80, s3, s6, $0xb8;
	[tilespmem:$0x4080] =	vst v63  }
0xd: {  	p0 =	sne.s32 s31, $0x1;
	_ =	swait.ge [sflag:s7], $0x4000  }
.Ltmp0:
0xe: {  	s9 =	sshll.u32 s9, $0x4;
	[sflag:s7] =	ssyncset.done $0x0;
	(pc) =	sbr.rel @!p0 .LBB2_2-.Ltmp0, $4  }
0xf: {  	s8 =	sadd.s32 s8, s9;
	[sflag:s7] =	ssyncadd.s32 $0xFFFFC000  }
0x10: {  	[hbm4b:s8+s3] =	stream.linear.scatter [tilespmem:s6], [sflag:$0x2], $0x4000, $0x38;
	[tilespmem:$0x4080] =	vst v63  }
0x11: {  	_ =	swait.ge [sflag:s4], $0x4000  }
0x12: {  	s9 =	sadd.s32 $0xFFFFFFFF, s31;
	[sflag:s4] =	ssyncset.done $0x0  }
.LBB2_1:
0x13: {  	p0 =	sne.s32 s9, $0x1;
	s9 =	sadd.s32 $0xFFFFFFFF, s9;
	[sflag:s4] =	ssyncadd.s32 $0xFFFFC000  }
0x14: {  	[tilespmem:s3], [sflag:$0x2] =	stream.linear.gather [hbm4b:s5+s3], $0x80, $0x38;
	[tilespmem:$0x4080] =	vst v63  }
0x15: {  	_ =	swait.ge [sflag:s4], $0x80  }
0x16: {  	[sflag:s4] =	ssyncset.done $0x0  }
0x17: {  	[sflag:s4] =	ssyncadd.s32 $0xFFFFFF80  }
0x18: {  	[tilespmem:s6], [sflag:$0x1] =	stream.indirect.gather [hbm4b:s1+s6], $0x80, s3, s6, $0xb8;
	[tilespmem:$0x4080] =	vst v63  }
0x19: {  	_ =	swait.ge [sflag:s7], $0x4000  }
.Ltmp1:
0x1a: {  	[sflag:s7] =	ssyncset.done $0x0;
	(pc) =	sbr.rel @p0 .LBB2_1-.Ltmp1, $4  }
0x1b: {  	[sflag:s7] =	ssyncadd.s32 $0xFFFFC000  }
0x1c: {  	[hbm4b:s8+s3] =	stream.linear.scatter [tilespmem:s6], [sflag:$0x2], $0x4000, $0x38;
	[tilespmem:$0x4080] =	vst v63  }
0x1d: {  	_ =	swait.ge [sflag:s4], $0x4000  }
0x1e: {  	[sflag:s4] =	ssyncset.done $0x0  }
.LBB2_2:
0x1f: {  	[sflag:s4] =	ssyncadd.s32 $0xFFFFC000  }
0x20: {  	_ =	sfence.sel $0x180000  }
0x21: {  	[bflag:$0x0] =	sbarrier.arrive $0xFFFF  }
0x22: {  	p0 =	sne.s32 s0, $0x0;
	_ =	strace $0x90000047  }
0x23: {  	s0 =	sadd.s32 @!p0 $0x100000, s2;
	[bflag:$0x2] =	sbarrier.arrive $0xFFFF  }
0x24: {  	[sflag:s0] =	ssyncadd.tile.s32 @!p0 $0x1;
	_ =	shalt  }
.Lfunc_end2:
_tile_overlayer_lowered:
.L_overlay_start_2:
0x25: {  	(tag) =	ssettag $0x2  }
0x26: {  	s0 =	rddreg [dreg:$0x0];
	s2 =	stileid.u32  }
0x27: {  	s1 =	rddreg [dreg:$0x1];
	p0 =	sne.s32 s2, $0x0  }
0x28: {  	s3 =	rddreg [dreg:$0x2];
	[bflag:$0x3] =	sbarrier.arrive $0xFFFF;
	s2 =	simm.s32 @!p0 $0x1C02  }
0x29: {  	[timem:s3], [sflag:s2] =	dma.local @!p0 [hbm:s0], s1  }
0x2a: {  	s0 =	simm.s32 @!p0 $0x2  }
0x2b: {  	_ =	swait.ge @!p0 [sflag:s0], s1  }
0x2c: {  	s1 =	ssub.s32 @!p0 $0x0, s1;
	[sflag:s0] =	ssyncset.done @!p0 $0x0  }
0x2d: {  	[sflag:s0] =	ssyncadd.s32 @!p0 s1  }
0x2e: {  	[bflag:$0x3] =	sbarrier.arrive $0xFFFF  }
0x2f: {  	_ =	shalt  }

// kernel: kernel.9.cloned.1.call-start
scs
__scs_entry_jumppad:
0x0: {  	(pc) =	sbr.rel $0x88, $3  }
0x1: {  	(tag) =	ssettag $0x0;
	lr =	simm.s32 $0x1  }
0x2: {  	[smem:$0x3F92] =	sst lr;
	_ =	strace $0xD0000000  }
0x3: {  	_ = 	snop  }
0x4: {  	_ = 	snop  }
0x5: {  	_ = 	snop  }
0x6: {  	_ = 	snop  }
0x7: {  	_ = 	snop  }
__scs_overlays_trampoline_lowered:
0x8: {  	[smem:$0x3FA1] =	sst s0  }
0x9: {  	[smem:$0x3FA2] =	sst s1  }
0xa: {  	[smem:$0x3FA3] =	sst s2  }
0xb: {  	[smem:$0x3FA4] =	sst s3  }
0xc: {  	[smem:$0x3FA5] =	sst s4  }
0xd: {  	[smem:$0x3FA6] =	sst s5  }
0xe: {  	[smem:$0x3FA7] =	sst s6  }
0xf: {  	[smem:$0x3FA8] =	sst s7  }
0x10: {  	[smem:$0x3FA9] =	sst s8  }
0x11: {  	[smem:$0x3FAA] =	sst s9;
	s0 =	simm.s32 @!p0 $0x0  }
0x12: {  	s1 =	sld [smem:$0x3F90];
	s0 =	simm.s32 @p0 $0x1  }
0x13: {  	[smem:$0x3FAB] =	sst s0;
	s0 =	simm.s32 @!p1 $0x0  }
0x14: {  	s2 =	sld [smem:$0x3F8F];
	s0 =	simm.s32 @p1 $0x1  }
0x15: {  	[smem:$0x3FAC] =	sst s0;
	s0 =	simm.s32 @!p2 $0x0  }
0x16: {  	s3 =	sld [smem:$0x3FDB];
	s0 =	simm.s32 @p2 $0x1  }
0x17: {  	s4 =	simm.s32 $0x1BF5;
	[smem:$0x3FAE] =	sst s0  }
0x18: {  	s0 =	sld [smem:$0x3F91];
	_ =	swait.ge [sflag:s4], $0x0  }
0x19: {  	s7 =	sld [smem:$0x3F92]  }
0x1a: {  	s8 =	sadd.s32 $0xFFFFE003, lr  }
0x1b: {  	s9 =	sadd.s32 $0xFFFFFEF7, lr;
	s5 =	simm.s32 $0xFFFFFFFF;
	p2 =	slt.u32 s8, $0xFFFFF086  }
0x1c: {  	p1 =	slt.u32 s9, $0xF7A;
	s5 =	simm.s32 @!p2 $0x0  }
0x1d: {  	s5 =	simm.s32 @p1 $0x1;
	p0 =	seq.s32 s7, s2  }
0x1e: {  	s7 =	smul.u32 @!p0 $0xF7A, s2;
	p2 =	seq.s32 @!p0 s5, $0x0  }
0x1f: {  	s9 =	smul.u32 $0xF7A, s1;
	s8 =	simm.s32 @!p0 $0x1BF5;
	p2 =	por !p2, p0  }
0x20: {  	[sflag:s8] =	ssyncset.s32 @!p0 $0xFFFFF086;
	s6 =	sadd.s32 @!p0 s3, s7;
	s7 =	simm.s32 @!p0 $0x108  }
0x21: {  	s3 =	sadd.s32 s3, s9;
	s6 =	sadd.s32 @!p0 $0x88, s6;
	s7 =	simm.s32 @p2 $0x1082  }
0x22: {  	[simem:s7], [sflag:s8] =	dma.local @!p0 [hbm:s6], $0xF7A  }
0x23: {  	s9 =	sor.u32 $0xD0000000, s2;
	s6 =	simm.s32 $0x108;
	_ =	swait.ge @!p0 [sflag:s8], $0x0  }
0x24: {  	s3 =	sadd.s32 $0x88, s3;
	s6 =	simm.s32 @!p1 $0x1082;
	[sflag:s4] =	ssyncset.s32 $0xFFFFF086  }
0x25: {  	[simem:s6], [sflag:s4] =	dma.local [hbm:s3], $0xF7A  }
0x26: {  	[smem:$0x3F92] =	sst s1;
	(tag) =	ssettag s2;
	_ =	strace s9  }
0x27: {  	s1 =	sld [smem:$0x3FA2]  }
0x28: {  	s2 =	sld [smem:$0x3FA3]  }
0x29: {  	s4 =	sld [smem:$0x3FA5]  }
0x2a: {  	p0 =	seq.s32 s5, $0x0;
	s5 =	sld [smem:$0x3FA6]  }
0x2b: {  	s6 =	sld [smem:$0x3FA7]  }
0x2c: {  	s7 =	sld [smem:$0x3FA8]  }
0x2d: {  	s3 =	simm.s32 $0x108;
	s8 =	sld [smem:$0x3FA9]  }
0x2e: {  	s3 =	simm.s32 @!p0 $0x1082;
	s9 =	sld [smem:$0x3FAA]  }
0x2f: {  	lr =	sadd.s32 s0, s3;
	s0 =	sld [smem:$0x3FA1]  }
0x30: {  	s3 =	sld [smem:$0x3FA4]  }
0x31: {  	[smem:$0x3FAD] =	sst s10  }
0x32: {  	s10 =	sld [smem:$0x3FAB];
	_ =	sdelay $0x3  }
0x33: {  	p0 =	seq.s32 s10, $0x1;
	s10 =	sld [smem:$0x3FAD];
	_ =	sdelay $0x3  }
0x34: {  	[smem:$0x3FAD] =	sst s10  }
0x35: {  	s10 =	sld [smem:$0x3FAC];
	_ =	sdelay $0x3  }
0x36: {  	p1 =	seq.s32 s10, $0x1;
	s10 =	sld [smem:$0x3FAD];
	_ =	sdelay $0x3  }
0x37: {  	[smem:$0x3FAD] =	sst s10  }
0x38: {  	s10 =	sld [smem:$0x3FAE]  }
0x39: {  	_ = 	snop;
	(pc) =	sbr.ind lr, $3  }
0x3a: {  	_ = 	snop  }
0x3b: {  	_ = 	snop  }
0x3c: {  	p2 =	seq.s32 s10, $0x1;
	s10 =	sld [smem:$0x3FAD]  }
0x3d: {  	_ =	shalt  }
0x3e: {  	_ =	shalt  }
0x3f: {  	_ =	shalt  }
0x40: {  	_ =	shalt  }
0x41: {  	_ =	shalt  }
0x42: {  	_ =	shalt  }
0x43: {  	_ =	shalt  }
0x44: {  	_ =	shalt  }
0x45: {  	_ =	shalt  }
0x46: {  	_ =	shalt  }
0x47: {  	_ =	shalt  }
0x48: {  	_ =	shalt  }
0x49: {  	_ =	shalt  }
0x4a: {  	_ =	shalt  }
0x4b: {  	_ =	shalt  }
0x4c: {  	_ =	shalt  }
0x4d: {  	_ =	shalt  }
0x4e: {  	_ =	shalt  }
0x4f: {  	_ =	shalt  }
0x50: {  	_ =	shalt  }
0x51: {  	_ =	shalt  }
0x52: {  	_ =	shalt  }
0x53: {  	_ =	shalt  }
0x54: {  	_ =	shalt  }
0x55: {  	_ =	shalt  }
0x56: {  	_ =	shalt  }
0x57: {  	_ =	shalt  }
0x58: {  	_ =	shalt  }
0x59: {  	_ =	shalt  }
0x5a: {  	_ =	shalt  }
0x5b: {  	_ =	shalt  }
0x5c: {  	_ =	shalt  }
0x5d: {  	_ =	shalt  }
0x5e: {  	_ =	shalt  }
0x5f: {  	_ =	shalt  }
0x60: {  	_ =	shalt  }
0x61: {  	_ =	shalt  }
0x62: {  	_ =	shalt  }
0x63: {  	_ =	shalt  }
0x64: {  	_ =	shalt  }
0x65: {  	_ =	shalt  }
0x66: {  	_ =	shalt  }
0x67: {  	_ =	shalt  }
0x68: {  	_ =	shalt  }
0x69: {  	_ =	shalt  }
0x6a: {  	_ =	shalt  }
0x6b: {  	_ =	shalt  }
0x6c: {  	_ =	shalt  }
0x6d: {  	_ =	shalt  }
0x6e: {  	_ =	shalt  }
0x6f: {  	_ =	shalt  }
0x70: {  	_ =	shalt  }
0x71: {  	_ =	shalt  }
0x72: {  	_ =	shalt  }
0x73: {  	_ =	shalt  }
0x74: {  	_ =	shalt  }
0x75: {  	_ =	shalt  }
0x76: {  	_ =	shalt  }
0x77: {  	_ =	shalt  }
0x78: {  	_ =	shalt  }
0x79: {  	_ =	shalt  }
0x7a: {  	_ =	shalt  }
0x7b: {  	_ =	shalt  }
0x7c: {  	_ =	shalt  }
0x7d: {  	_ =	shalt  }
0x7e: {  	_ =	shalt  }
0x7f: {  	_ =	shalt  }
0x80: {  	_ =	shalt  }
0x81: {  	_ =	shalt  }
0x82: {  	_ =	shalt  }
0x83: {  	_ =	shalt  }
0x84: {  	_ =	shalt  }
0x85: {  	_ =	shalt  }
0x86: {  	_ =	shalt  }
0x87: {  	_ =	shalt  }
.Lfunc_end0:
.L_simem_size_0:
called_computation.1_lowered:
.L_overlay_start_0:
0x88: {  	s2 =	sld [smem:$0x3FD9]  }
0x89: {  	s3 =	sld [smem:$0x3FFE];
	_ =	sdelay $0x1  }
0x8a: {  	s1 =	srdreg.scid  }
0x8b: {  	s0 =	sand.u32 $0x1, s1  }
0x8c: {  	s14 =	sshll.u32 s0, $0xA;
	s2 =	sadd.s32 s3, s2  }
0x8d: {  	s2 =	sadd.s32 s2, s14  }
0x8e: {  	[smem:$0x3FB9] =	sst s2  }
0x8f: {  	_ = 	snop  }
0x90: {  	s2 =	sld [smem:$0x3FD0];
	_ =	sdelay $0x2  }
0x91: {  	s15 =	simm.s32 $0xA;
	s4 =	simm.s32 $0x10  }
0x92: {  	[smem:s4], [sflag:s15] =	dma.local [hbm:s2], $0x1  }
0x93: {  	_ =	swait.eq [sflag:s15], $0x1  }
0x94: {  	[sflag:s15] =	ssyncset.done $0x0  }
0x95: {  	[sflag:s15] =	ssyncadd.s32 $0xFFFFFFFF  }
0x96: {  	s16 =	sld [smem:$0x10];
	(tm) =	ssettm $0x1  }
0x97: {  	s17 =	sld [smem:$0x3FFB];
	_ =	sdelay $0x3  }
0x98: {  	_ =	strace s17  }
0x99: {  	s3 =	sld [smem:$0x3FFC];
	_ =	sdelay $0x3  }
0x9a: {  	_ =	strace s3  }
0x9b: {  	s3 =	sld [smem:$0x3FFD];
	_ =	sdelay $0x3  }
0x9c: {  	_ =	strace s3  }
0x9d: {  	_ =	strace $0x8FFFFFFF  }
0x9e: {  	s18 =	sld [smem:$0x3FDB];
	_ =	sdelay $0x1  }
0x9f: {  	s19 =	simm.s32 $_scs_section_size  }
0xa0: {  	s5 =	simm.s32 $_size__tile_overlayer_lowered;
	s6 =	simm.s32 $_tile_overlayer_lowered  }
0xa1: {  	s22 =	simm.s32 $0x1BFF;
	s21 =	sshll.u32 s6, $0x1;
	s3 =	sadd.s32 s19, s18  }
0xa2: {  	s7 =	simm.s32 $0x0;
	s20 =	sshll.u32 s5, $0x1;
	s5 =	sadd.s32 s21, s3  }
0xa3: {  	[timem:s7], [sflag:s22] =	dma.local [hbm:s5], s20  }
0xa4: {  	_ =	swait.ge [sflag:s22], s20  }
0xa5: {  	s4 =	ssub.s32 $0x0, s20;
	[sflag:s22] =	ssyncset.done $0x0  }
0xa6: {  	[sflag:s22] =	ssyncadd.s32 s4;
	_ =	sdelay $0x1  }
0xa7: {  	s23 =	simm.s32 $0x1B8B  }
0xa8: {  	_ =	swait.ge [sflag:s23], $0x1  }
0xa9: {  	[sflag:s23] =	ssyncset.done $0x0  }
0xaa: {  	s25 =	simm.s32 $0x1B8E;
	s24 =	sld [smem:$0x3FFE];
	[sflag:s23] =	ssyncadd.s32 $0xFFFFFFFF  }
0xab: {  	s26 =	simm.s32 $execute0_lowered;
	[smem:$0x3FD2] =	sst s25  }
0xac: {  	s5 =	sshll.u32 s26, $0x1;
	_ =	strace $0x80000049;
	[dreg:$0x1] =	wrdreg $0xFFFFFFFF  }
0xad: {  	s28 =	simm.s32 $_size_execute0_lowered;
	s3 =	sadd.s32 s3, s5;
	[dreg:$0x0] =	wrdreg $0x0  }
0xae: {  	s5 =	sshll.u32 s28, $0x1;
	[dreg:$0x2] =	wrdreg s3  }
0xaf: {  	[dreg:$0x3] =	wrdreg s5  }
0xb0: {  	[dreg:$0x4] =	wrdreg $0xC0  }
0xb1: {  	_ =	task [dreg:s7], $0x5FFFF  }
0xb2: {  	[dreg:$0x1] =	wrdreg $0xFFFFFFFF  }
0xb3: {  	[dreg:$0x0] =	wrdreg $0x60  }
0xb4: {  	[dreg:$0x2] =	wrdreg s16  }
0xb5: {  	[dreg:$0x3] =	wrdreg s24  }
0xb6: {  	[dreg:$0x4] =	wrdreg $0x0  }
0xb7: {  	[dreg:$0x5] =	wrdreg $0x9  }
0xb8: {  	_ =	task.clear_ibuf [dreg:s7], $0x6FFFF;
	_ =	strace $0x90000049  }
0xb9: {  	s29 =	simm.s32 $0x9;
	_ =	strace $0x8000004B  }
0xba: {  	_ =	swait.ge [sflag:s29], $0x1  }
0xbb: {  	[sflag:s29] =	ssyncadd.s32 $0xFFFFFFFF  }
0xbc: {  	_ =	strace $0x9000004B  }
0xbd: {  	_ =	sfence  }
0xbe: {  	s30 =	sld [smem:$0x0];
	_ =	sdelay $0x2  }
0xbf: {  	s31 =	sshll.u32 s1, $0xD;
	s1 =	sshrl.u32 s1, $0x2  }
0xc0: {  	s3 =	sand.u32 $0x4000, s31;
	s1 =	sadd.s32 s1, s30  }
0xc1: {  	s0 =	sor.u32 s3, s0;
	s1 =	sshll.u32 s1, $0x11  }
0xc2: {  	s0 =	sor.u32 s1, s0  }
0xc3: {  	s0 =	sadd.s32 $0x8F2B, s0  }
0xc4: {  	[sflag:s0] =	ssyncadd.remote.s32 $0x1  }
0xc5: {  	_ =	sfence.sel $0xFFFF  }
0xc6: {  	[dreg:$0x0] =	wrdreg $0xFFFFFFFF;
	(pc) =	sbr.abs _section_cstart, $3  }
0xc7: {  	[dreg:$0x1] =	wrdreg $0xFFFFFFFF  }
0xc8: {  	_ =	task.clear_ibuf [dreg:s7], $0x2FFFF;
	_ =	strace $0x9FFFFFFF  }
0xc9: {  	(tm) =	ssettm $0x7FFFFFFF  }
tec
execute0_lowered:
.L_overlay_start_1:
0x0: {  	(tag) =	ssettag $0x1  }
0x1: {  	s12 =	rddreg [dreg:$0x0]  }
0x2: {  	s5 =	rddreg [dreg:$0x1]  }
0x3: {  	s2 =	rddreg [dreg:$0x2];
	s3 =	srdreg.scid  }
0x4: {  	s0 =	rddreg [dreg:$0x3];
	s1 =	stileid.u32;
	s16 =	simm.s32 $0x13880  }
0x5: {  	s17 =	simm.s32 $0x13900;
	s20 =	simm.s32 $0x1;
	s21 =	simm.s32 $0x2  }
0x6: {  	s22 =	simm.s32 $0x3;
	s23 =	simm.s32 $0x80;
	s24 =	simm.s32 $0x4  }
0x7: {  	s13 =	sand.u32 $0x1, s3;
	s3 =	simm.s32 $0x0;
	s10 =	smul.u32 $0x4E000, s1  }
0x8: {  	s6 =	sshll.u32 s1, $0x7;
	s14 =	smul.u32 $0x2700, s1;
	s11 =	sadd.s32 $0x138000, s2  }
0x9: {  	p1 =	sne.s32 s1, $0xF;
	p2 =	seq.s32 s1, $0xF;
	s4 =	sshll.u32 s13, $0xB  }
0xa: {  	[smem:$0x7FF] =	sst s3;
	s8 =	ssub.s32 $0x2, s13;
	p0 =	seq.s32 s13, $0x1  }
0xb: {  	s19 =	sshrl.u32 @!p1 s11, $0x3;
	s4 =	sor.u32 s6, s4;
	_ =	strace $0x8000004A  }
0xc: {  	s9 =	sshrl.u32 s8, $0x1;
	s31 =	sshrl.u32 s10, $0x2;
	s6 =	sshll.u32 s4, $0x4  }
0xd: {  	s4 =	sshrl.u32 s4, $0x3;
	s15 =	ssub.s32 s8, s9;
	s18 =	sadd.s32 s31, s2  }
.Ltmp0:
0xe: {  	s8 =	sadd.s32 s12, s14;
	s9 =	sshll.u32 s1, $0x6;
	(pc) =	sbr.rel .LBB2_1-.Ltmp0, $4  }
0xf: {  	s12 =	sadd.s32 $0x27000, s12;
	s7 =	sadd.s32 s6, s5;
	s30 =	sadd.s32 s4, s5  }
0x10: {  	s4 =	sadd.s32 $0x13C00, s5;
	s5 =	sadd.s32 $0x3AE00, s5;
	s10 =	sor.u32 $0x1C03, s9  }
0x11: {  	s15 =	smax.u32 s15, $0x1;
	s18 =	sshrl.u32 s18, $0x3;
	s6 =	sadd.s32 $0x3A00, s30  }
0x12: {  	s7 =	sadd.s32 $0x3C00, s7;
	s13 =	sadd.s32 s4, s14;
	s14 =	sadd.s32 s5, s14  }
.LBB2_4:
0x13: {  	s26 =	sadd.s32 $0x27000, s26;
	s28 =	sshrl.u32 s11, $0x3  }
0x14: {  	[hbm:s26], [sflag:s25] =	dma.local [spmem:s28], $0x100  }
0x15: {  	_ =	swait.ge [sflag:s24], $0x100  }
0x16: {  	[sflag:s24] =	ssyncset.done $0x0  }
0x17: {  	[sflag:s24] =	ssyncadd.s32 $0xFFFFFF00  }
.LBB2_5:
0x18: {  	s15 =	sadd.s32 $0xFFFFFFFF, s15  }
0x19: {  	p3 =	sne.s32 s15, $0x0  }
.Ltmp1:
0x1a: {  	_ = 	snop;
	(pc) =	sbr.rel @!p3 .LBB2_6-.Ltmp1, $1  }
0x1b: {  	_ =	sdelay $0x3  }
.LBB2_1:
0x1c: {  	[tilespmem:s16], [sflag:$0x1] =	stream.linear.gather [hbm4b:s6+s3], $0x80, $0x38;
	[tilespmem:$0x17900] =	vst v63  }
0x1d: {  	s25 =	simm.s32 @!p1 $0x1FC4  }
0x1e: {  	[tilespmem:s17], [sflag:$0x2] =	stream.linear.gather [hbm4b:s7+s3], $0x4000, $0x38;
	[tilespmem:$0x17900] =	vst v63  }
0x1f: {  	[spmem:s18], [sflag:s10] =	dma.local [hbm:s8], $0x2700  }
0x20: {  	[spmem:s19], [sflag:s25] =	dma.local @!p1 [hbm:s12], $0x100  }
0x21: {  	s25 =	simm.s32 @!p1 $0x4  }
0x22: {  	_ =	swait.ge @!p1 [sflag:s25], $0x100  }
0x23: {  	[sflag:s25] =	ssyncset.done @!p1 $0x0  }
0x24: {  	[sflag:s25] =	ssyncadd.s32 @!p1 $0xFFFFFF00  }
0x25: {  	_ =	swait.ge [sflag:s20], $0x80  }
0x26: {  	[sflag:s20] =	ssyncset.done $0x0  }
0x27: {  	[sflag:s20] =	ssyncadd.s32 $0xFFFFFF80  }
0x28: {  	_ =	swait.ge [sflag:s21], $0x4000  }
0x29: {  	[sflag:s21] =	ssyncset.done $0x0  }
0x2a: {  	[sflag:s21] =	ssyncadd.s32 $0xFFFFC000  }
0x2b: {  	_ =	swait.ge [sflag:s22], $0x2700  }
0x2c: {  	[sflag:s22] =	ssyncset.done $0x0  }
0x2d: {  	[sflag:s22] =	ssyncadd.s32 $0xFFFFD900  }
0x2e: {  	[bflag:$0x0] =	sbarrier.arrive $0xFFFF  }
0x2f: {  	[spmem:s2] =	stream.indirect.scatter.add.f32 [tilespmem:s17], [sflag:$0x4], $0x80, s16, s23, $0xb8;
	[tilespmem:$0x17900] =	vst v63  }
.Ltmp2:
0x30: {  	_ =	swait.ge [sflag:s24], $0x4000;
	(pc) =	sbr.rel @!p0 .LBB2_2-.Ltmp2, $4  }
0x31: {  	[sflag:s24] =	ssyncset.done $0x0  }
0x32: {  	[sflag:s24] =	ssyncadd.s32 $0xFFFFC000  }
0x33: {  	[bflag:$0x0] =	sbarrier.arrive $0xFFFF  }
0x34: {  	s25 =	sor.u32 $0x1C04, s9  }
0x35: {  	s25 =	sor.u32 $0x1C04, s9  }
0x36: {  	[hbm:s14], [sflag:s25] =	dma.local [spmem:s18], $0x2700  }
.Ltmp3:
0x37: {  	_ = 	snop;
	(pc) =	sbr.rel @p1 .LBB2_5-.Ltmp3, $4  }
.Ltmp4:
0x38: {  	_ = 	snop;
	(pc) =	sbr.rel @!p1 .LBB2_4-.Ltmp4, $4  }
0x39: {  	_ =	swait.ge [sflag:s24], $0x2700  }
0x3a: {  	[sflag:s24] =	ssyncset.done $0x0  }
0x3b: {  	s26 =	smov.u32 s5;
	[sflag:s24] =	ssyncadd.s32 $0xFFFFD900  }
0x3c: {  	_ = 	snop  }
.LBB2_2:
0x3d: {  	[hbm:s13], [sflag:s25] =	dma.local [spmem:s18], $0x2700  }
.Ltmp5:
0x3e: {  	_ = 	snop;
	(pc) =	sbr.rel @p2 .LBB2_4-.Ltmp5, $4  }
.Ltmp6:
0x3f: {  	_ = 	snop;
	(pc) =	sbr.rel @!p2 .LBB2_5-.Ltmp6, $4  }
0x40: {  	_ =	swait.ge [sflag:s24], $0x2700  }
0x41: {  	[sflag:s24] =	ssyncset.done $0x0  }
0x42: {  	s26 =	smov.u32 s4;
	[sflag:s24] =	ssyncadd.s32 $0xFFFFD900  }
0x43: {  	_ = 	snop  }
.LBB2_6:
0x44: {  	_ =	sfence.sel $0x180000  }
0x45: {  	[bflag:$0x0] =	sbarrier.arrive $0xFFFF  }
0x46: {  	p0 =	sne.s32 s1, $0x0;
	_ =	strace $0x9000004A  }
0x47: {  	s0 =	sadd.s32 @!p0 $0x100000, s0;
	[bflag:$0x2] =	sbarrier.arrive $0xFFFF  }
0x48: {  	[sflag:s0] =	ssyncadd.tile.s32 @!p0 $0x1;
	_ =	shalt  }
.Lfunc_end2:
_tile_overlayer_lowered:
.L_overlay_start_2:
0x49: {  	(tag) =	ssettag $0x2  }
0x4a: {  	s0 =	rddreg [dreg:$0x0];
	s2 =	stileid.u32  }
0x4b: {  	s1 =	rddreg [dreg:$0x1];
	p0 =	sne.s32 s2, $0x0  }
0x4c: {  	s3 =	rddreg [dreg:$0x2];
	[bflag:$0x3] =	sbarrier.arrive $0xFFFF;
	s2 =	simm.s32 @!p0 $0x1C04  }
0x4d: {  	[timem:s3], [sflag:s2] =	dma.local @!p0 [hbm:s0], s1  }
0x4e: {  	s0 =	simm.s32 @!p0 $0x4  }
0x4f: {  	_ =	swait.ge @!p0 [sflag:s0], s1  }
0x50: {  	s1 =	ssub.s32 @!p0 $0x0, s1;
	[sflag:s0] =	ssyncset.done @!p0 $0x0  }
0x51: {  	[sflag:s0] =	ssyncadd.s32 @!p0 s1  }
0x52: {  	[bflag:$0x3] =	sbarrier.arrive $0xFFFF  }
0x53: {  	_ =	shalt  }

</sc_bundles>
